<compile_context>
chip_gen: v7x
topology: tpu7x:2x2x1
jax: 0.10.2.dev20260603
libtpu: 0.0.44.dev20260713+nightly
codegen_flags: <defaults>
</compile_context>

<pallas_src>
import functools
import math

import jax
import jax.numpy as jnp
from jax import lax
from jax.experimental import pallas as pl
from jax.experimental.pallas import tpu as pltpu
from jax.experimental.pallas import tpu_sc as plsc

_N = 512
_C = 96
_NBANDS = 32
_BAND = _N // _NBANDS
_PX = _BAND * _N
_W = 44
_WPX = _W * _N
_NC = 2
_NS = 16

_CUTMIN, _CUTMAX, _ALPHA = 2, 32, 1.0


def _build_field():
    n = _N
    beta_sample = 0.5
    cut = int(beta_sample * (_CUTMAX + 1 - _CUTMIN) + _CUTMIN)
    c_ = cut + 1e-06
    lg = math.log(c_)
    t1 = 1.0 / (math.pi * n ** 2 * lg)
    t2 = 4.0 / (math.pi ** 3 * c_ ** 2 * lg)
    t2 = max(t1, _ALPHA * t2)
    t = beta_sample * (t2 - t1) + t1

    def field(m, key):
        x = jnp.linspace(0.0, 1.0, n, dtype=jnp.float32)
        k = jnp.arange(1, m + 1, dtype=jnp.float32)
        i, j = jnp.meshgrid(k, k, indexing='ij')
        r = jnp.sqrt(i ** 2 + j ** 2)
        e = (r < m + 0.5).astype(jnp.float32) / r
        s = jnp.sin(jnp.pi * x[:, None] * k[None, :])
        c = jax.random.normal(key, (m, m), dtype=jnp.float32) * e
        return jnp.einsum('ij,xi,yj->yx', c, s, s)

    ku, kv = jax.random.split(jax.random.key(1))
    dx = (t ** 0.5) * field(cut, ku) * n
    dy = (t ** 0.5) * field(cut, kv) * n
    y, x = jnp.meshgrid(jnp.arange(n, dtype=jnp.float32),
                        jnp.arange(n, dtype=jnp.float32), indexing='ij')
    xn = jnp.clip(x - dx, 0.0, n - 1)
    yn = jnp.clip(y - dy, 0.0, n - 1)
    ybf = jnp.clip(jnp.floor(yn), 0, n - 2)
    xbf = jnp.clip(jnp.floor(xn), 0, n - 2)
    yv = yn - ybf
    xv = xn - xbf
    gbase = ybf.astype(jnp.int32) * n + xbf.astype(jnp.int32)
    return gbase, xv, yv


def _consts():
    gbase, xv, yv = _build_field()
    ybrow = gbase // _N
    ybmin = jnp.min(ybrow.reshape(_NBANDS, _PX), axis=1)
    lo = jnp.clip(ybmin - 2, 0, _N - _W).astype(jnp.int32)
    lo512 = lo * _N
    base = gbase.reshape(_NBANDS, _PX) - lo512[:, None]
    xq = jnp.round(xv * 65535.0).astype(jnp.uint32)
    yq = jnp.round(yv * 65535.0).astype(jnp.uint32)
    uv = jax.lax.bitcast_convert_type((yq << 16) | xq, jnp.int32)
    lo512_pad = jnp.concatenate([lo512, jnp.zeros(16, jnp.int32)])
    return base.reshape(-1), uv.reshape(-1), lo512_pad


def _make_remap():
    mesh = plsc.VectorSubcoreMesh(core_axis_name="c", subcore_axis_name="s")

    @functools.partial(
        pl.kernel,
        out_type=jax.ShapeDtypeStruct((_C * _N * _N,), jnp.float32),
        mesh=mesh,
        compiler_params=pltpu.CompilerParams(needs_layout_passes=False),
        scratch_types=[
            pltpu.VMEM((_PX,), jnp.int32),
            pltpu.VMEM((_PX,), jnp.int32),
            pltpu.VMEM((_NBANDS + 16,), jnp.int32),
            pltpu.VMEM((4 * _WPX,), jnp.float32),
            pltpu.VMEM((2 * _PX,), jnp.float32),
            pltpu.SemaphoreType.DMA,
            pltpu.SemaphoreType.DMA,
            pltpu.SemaphoreType.DMA,
            pltpu.SemaphoreType.DMA,
            pltpu.SemaphoreType.DMA,
            pltpu.SemaphoreType.DMA,
        ],
    )
    def _remap(img_hbm, base_hbm, uv_hbm, lo_hbm, out_hbm,
               base_v, uv_v, lo_v, win_v, out_v,
               sem_in00, sem_in01, sem_in10, sem_in11, sem_out0, sem_out1):
        cid = lax.axis_index("c")
        sid = lax.axis_index("s")
        wid = sid * _NC + cid
        mband = pl.multiple_of(wid * _PX, _PX)

        pltpu.sync_copy(base_hbm.at[pl.ds(mband, _PX)], base_v)
        pltpu.sync_copy(uv_hbm.at[pl.ds(mband, _PX)], uv_v)
        pltpu.sync_copy(lo_hbm, lo_v)
        lo512 = pl.multiple_of(lo_v[pl.ds(wid, 16)][0], _N)

        sems_in = ((sem_in00, sem_in01), (sem_in10, sem_in11))
        sems_out = (sem_out0, sem_out1)

        def in_copy(c, q, j):
            return pltpu.make_async_copy(
                img_hbm.at[pl.ds(pl.multiple_of(c * (_N * _N) + lo512, _N),
                                 _WPX)],
                win_v.at[pl.ds((2 * q + j) * _WPX, _WPX)],
                sems_in[q][j])

        def out_copy(c, j):
            return pltpu.make_async_copy(
                out_v.at[pl.ds(j * _PX, _PX)],
                out_hbm.at[pl.ds(pl.multiple_of(c * (_N * _N) + mband, _PX),
                                 _PX)],
                sems_out[j])

        in_copy(0, 0, 0).start()
        in_copy(1, 0, 1).start()

        def compute(q):
            woff = 2 * q * _WPX

            @plsc.parallel_loop(0, _PX, step=16, unroll=4)
            def px(i):
                sl = pl.ds(i, 16)
                b = base_v[sl] + woff
                uvw = uv_v[sl]
                xv = (uvw & 0xFFFF).astype(jnp.float32) * (1.0 / 65535.0)
                yv = (lax.shift_right_logical(uvw, 16)
                      .astype(jnp.float32) * (1.0 / 65535.0))
                a00 = plsc.load_gather(win_v, [b])
                a01 = plsc.load_gather(win_v, [b + 1])
                a10 = plsc.load_gather(win_v, [b + _N])
                a11 = plsc.load_gather(win_v, [b + (_N + 1)])
                atop = a00 + xv * (a01 - a00)
                abot = a10 + xv * (a11 - a10)
                out_v[pl.ds(i, 16)] = atop + yv * (abot - atop)
                b2 = b + _WPX
                c00 = plsc.load_gather(win_v, [b2])
                c01 = plsc.load_gather(win_v, [b2 + 1])
                c10 = plsc.load_gather(win_v, [b2 + _N])
                c11 = plsc.load_gather(win_v, [b2 + (_N + 1)])
                ctop = c00 + xv * (c01 - c00)
                cbot = c10 + xv * (c11 - c10)
                out_v[pl.ds(_PX + i, 16)] = ctop + yv * (cbot - ctop)

        def pair_duo(k2, _):
            for q in (0, 1):
                k = k2 * 2 + q
                c0 = 2 * k
                in_copy(c0, q, 0).wait()
                in_copy(c0 + 1, q, 1).wait()

                @pl.when(k < _C // 2 - 1)
                def _start_next():
                    in_copy(c0 + 2, 1 - q, 0).start()
                    in_copy(c0 + 3, 1 - q, 1).start()

                @pl.when(k >= 1)
                def _free_out():
                    out_copy(c0 - 2, 0).wait()
                    out_copy(c0 - 1, 1).wait()

                compute(q)
                out_copy(c0, 0).start()
                out_copy(c0 + 1, 1).start()
            return 0

        lax.fori_loop(0, _C // 4, pair_duo, 0)
        out_copy(_C - 2, 0).wait()
        out_copy(_C - 1, 1).wait()

    return _remap


_REMAP_CACHE = []


def kernel(img):
    base, uv, lo512 = _consts()
    if not _REMAP_CACHE:
        _REMAP_CACHE.append(_make_remap())
    img1 = img.reshape(-1)
    out = _REMAP_CACHE[0](img1, base, uv, lo512)
    return out.reshape(img.shape)

# --- scband reference (transcript-rebuilt; emitter-appended) ---
"""Pipeline reference for scband-diffeo-24567212933293 (READ-ONLY COPY).

The authoritative reference and input builder live on the scoring server;
editing this copy changes nothing except your own understanding.
"""

import jax, jax.numpy as jnp
import numpy as np
import math

CUTMIN = 2
CUTMAX = 32
ALPHA = 1.0


def scalar_field_modes(n, m):
    # sqrt(1 / Energy per mode) and the sine modes
    x = jnp.linspace(0.0, 1.0, n, dtype=jnp.float32)
    k = jnp.arange(1, m + 1, dtype=jnp.float32)
    i, j = jnp.meshgrid(k, k, indexing='ij')
    r = jnp.sqrt(i ** 2 + j ** 2)
    e = (r < m + 0.5).astype(jnp.float32) / r
    s = jnp.sin(jnp.pi * x[:, None] * k[None, :])
    return e, s


def scalar_field(n, m, key):
    e, s = scalar_field_modes(n, m)
    c = jax.random.normal(key, (m, m), dtype=jnp.float32) * e
    # contract('ij,xi,yj->yx', c, s, s)
    return jnp.einsum('ij,xi,yj->yx', c, s, s)


def remap_linear(a, dx, dy):
    n, m = a.shape[-2], a.shape[-1]
    y, x = jnp.meshgrid(jnp.arange(n, dtype=dx.dtype), jnp.arange(m, dtype=dx.dtype), indexing='ij')
    xn = jnp.clip(x - dx, 0.0, m - 1)
    yn = jnp.clip(y - dy, 0.0, n - 1)
    xf = jnp.floor(xn).astype(jnp.int32)
    yf = jnp.floor(yn).astype(jnp.int32)
    xc = jnp.ceil(xn).astype(jnp.int32)
    yc = jnp.ceil(yn).astype(jnp.int32)
    xv = xn - xf
    yv = yn - yf
    return ((1 - yv) * (1 - xv) * a[..., yf, xf]
            + (1 - yv) * xv * a[..., yf, xc]
            + yv * (1 - xv) * a[..., yc, xf]
            + yv * xv * a[..., yc, xc])


def setup_inputs(seed: int = 0) -> dict:
    key = jax.random.key(seed)
    img = jax.random.normal(key, (32, 3, 512, 512), dtype=jnp.float32)
    return {"img": img}


def reference(img):
    init_shape = img.shape
    n = img.shape[-1]
    # Beta(s - s/(r+1), s/(r+1)) with s=1e10, r=1 -> Beta(5e9, 5e9), a delta at 0.5.
    beta_sample = 0.5
    cut = int(beta_sample * (CUTMAX + 1 - CUTMIN) + CUTMIN)  # = 17
    c_ = cut + 1e-06
    log = math.log(c_)
    T1 = 1.0 / (math.pi * n ** 2 * log)
    T2 = 4.0 / (math.pi ** 3 * c_ ** 2 * log)
    T2 = max(T1, ALPHA * T2)
    T = beta_sample * (T2 - T1) + T1
    ku, kv = jax.random.split(jax.random.key(1))
    u = scalar_field(n, cut, ku)
    v = scalar_field(n, cut, kv)
    dx = (T ** 0.5) * u * n
    dy = (T ** 0.5) * v * n
    out = remap_linear(img, dx, dy)
    return out.reshape(init_shape)

if __name__ == "__main__":
    import jax
    _d = setup_inputs()
    print(jax.jit(kernel)(*tuple(_d.values())))

</pallas_src>

<mosaic_0001>
#map = affine_map<(d0, d1) -> (0)>
module attributes {stable_mosaic.version = 14 : i64} {
  func.func @_remap(%arg0: i32, %arg1: i32, %arg2: memref<25165824xf32, #tpu.memory_space<hbm>>, %arg3: memref<262144xi32, #tpu.memory_space<hbm>>, %arg4: memref<262144xi32, #tpu.memory_space<hbm>>, %arg5: memref<48xi32, #tpu.memory_space<hbm>>, %arg6: memref<25165824xf32, #tpu.memory_space<hbm>>, %arg7: memref<8192xi32, #tpu.memory_space<vmem>>, %arg8: memref<8192xi32, #tpu.memory_space<vmem>>, %arg9: memref<48xi32, #tpu.memory_space<vmem>>, %arg10: memref<90112xf32, #tpu.memory_space<vmem>>, %arg11: memref<16384xf32, #tpu.memory_space<vmem>>, %arg12: memref<!tpu.dma_semaphore, #tpu.memory_space<semaphore_mem>>, %arg13: memref<!tpu.dma_semaphore, #tpu.memory_space<semaphore_mem>>, %arg14: memref<!tpu.dma_semaphore, #tpu.memory_space<semaphore_mem>>, %arg15: memref<!tpu.dma_semaphore, #tpu.memory_space<semaphore_mem>>, %arg16: memref<!tpu.dma_semaphore, #tpu.memory_space<semaphore_mem>>, %arg17: memref<!tpu.dma_semaphore, #tpu.memory_space<semaphore_mem>>) attributes {dimension_semantics = [#tpu.dimension_semantics<core_parallel>, #tpu.dimension_semantics<subcore_parallel>], iteration_bounds = array<i64: 2, 16>, scalar_prefetch = 0 : i64, scratch_operands = 11 : i64, tpu.core_type = #tpu.core_type<sc_vector_subcore>, window_params = [{transform_indices = #map}, {transform_indices = #map}, {transform_indices = #map}, {transform_indices = #map}, {transform_indices = #map}]} {
    %mul3A = arith.constant 2 : i32
    %mul3A_0 = arith.muli %arg1, %mul3A : i32
    %add3A = arith.addi %mul3A_0, %arg0 : i32
    %mul3A_1 = arith.constant 8192 : i32
    %mul3A_2 = arith.muli %add3A, %mul3A_1 : i32
    %multiple_of3A = tpu.assume_multiple %mul3A_2, 8192 : i32
    "tpu.region"() ({
      %run_scoped3A = tpu.sem_alloc : memref<!tpu.dma_semaphore, #tpu.memory_space<semaphore_mem>>
      %dma_start3A_45 = tpu.memref_slice %arg3[%multiple_of3A] : memref<262144xi32, #tpu.memory_space<hbm>> -> memref<8192xi32, #tpu.memory_space<hbm>>
      %dma_start3A_46 = tpu.memref_slice %arg3[%multiple_of3A] : memref<262144xi32, #tpu.memory_space<hbm>> -> memref<8192xi32, #tpu.memory_space<hbm>>
      tpu.enqueue_dma source(%dma_start3A_46 : memref<8192xi32, #tpu.memory_space<hbm>>) target(%arg7 : memref<8192xi32, #tpu.memory_space<vmem>>) target_semaphore(%run_scoped3A : memref<!tpu.dma_semaphore, #tpu.memory_space<semaphore_mem>>)
      %dma_wait3A_47 = tpu.memref_slice %arg3[%multiple_of3A] : memref<262144xi32, #tpu.memory_space<hbm>> -> memref<8192xi32, #tpu.memory_space<hbm>>
      %dma_wait3A_48 = tpu.memref_slice %arg3[%multiple_of3A] : memref<262144xi32, #tpu.memory_space<hbm>> -> memref<8192xi32, #tpu.memory_space<hbm>>
      tpu.wait_dma2 semaphore(%run_scoped3A : memref<!tpu.dma_semaphore, #tpu.memory_space<semaphore_mem>>) src(%dma_wait3A_48 : memref<8192xi32, #tpu.memory_space<hbm>>) dst(%arg7 : memref<8192xi32, #tpu.memory_space<vmem>>)
      tpu.yield
    }) : () -> ()
    "tpu.region"() ({
      %run_scoped3A = tpu.sem_alloc : memref<!tpu.dma_semaphore, #tpu.memory_space<semaphore_mem>>
      %dma_start3A_45 = tpu.memref_slice %arg4[%multiple_of3A] : memref<262144xi32, #tpu.memory_space<hbm>> -> memref<8192xi32, #tpu.memory_space<hbm>>
      %dma_start3A_46 = tpu.memref_slice %arg4[%multiple_of3A] : memref<262144xi32, #tpu.memory_space<hbm>> -> memref<8192xi32, #tpu.memory_space<hbm>>
      tpu.enqueue_dma source(%dma_start3A_46 : memref<8192xi32, #tpu.memory_space<hbm>>) target(%arg8 : memref<8192xi32, #tpu.memory_space<vmem>>) target_semaphore(%run_scoped3A : memref<!tpu.dma_semaphore, #tpu.memory_space<semaphore_mem>>)
      %dma_wait3A_47 = tpu.memref_slice %arg4[%multiple_of3A] : memref<262144xi32, #tpu.memory_space<hbm>> -> memref<8192xi32, #tpu.memory_space<hbm>>
      %dma_wait3A_48 = tpu.memref_slice %arg4[%multiple_of3A] : memref<262144xi32, #tpu.memory_space<hbm>> -> memref<8192xi32, #tpu.memory_space<hbm>>
      tpu.wait_dma2 semaphore(%run_scoped3A : memref<!tpu.dma_semaphore, #tpu.memory_space<semaphore_mem>>) src(%dma_wait3A_48 : memref<8192xi32, #tpu.memory_space<hbm>>) dst(%arg8 : memref<8192xi32, #tpu.memory_space<vmem>>)
      tpu.yield
    }) : () -> ()
    "tpu.region"() ({
      %run_scoped3A = tpu.sem_alloc : memref<!tpu.dma_semaphore, #tpu.memory_space<semaphore_mem>>
      tpu.enqueue_dma source(%arg5 : memref<48xi32, #tpu.memory_space<hbm>>) target(%arg9 : memref<48xi32, #tpu.memory_space<vmem>>) target_semaphore(%run_scoped3A : memref<!tpu.dma_semaphore, #tpu.memory_space<semaphore_mem>>)
      tpu.wait_dma2 semaphore(%run_scoped3A : memref<!tpu.dma_semaphore, #tpu.memory_space<semaphore_mem>>) src(%arg5 : memref<48xi32, #tpu.memory_space<hbm>>) dst(%arg9 : memref<48xi32, #tpu.memory_space<vmem>>)
      tpu.yield
    }) : () -> ()
    %get3A = arith.index_cast %add3A : i32 to index
    %get3A_3 = tpu.vector_load %arg9[%get3A] {strides = array<i32>} : memref<48xi32, #tpu.memory_space<vmem>>, vector<16xi32>,
    %slice3A = vector.extract_strided_slice %get3A_3 {offsets = [0], sizes = [1], strides = [1]} : vector<16xi32> to vector<1xi32>
    %squeeze3A = vector.extract %slice3A[0] : i32 from vector<1xi32>
    %multiple_of3A_4 = tpu.assume_multiple %squeeze3A, 512 : i32
    %add3A_5 = arith.constant 0 : i32
    %add3A_6 = arith.addi %add3A_5, %multiple_of3A_4 : i32
    %multiple_of3A_7 = tpu.assume_multiple %add3A_6, 512 : i32
    %dma_start3A = arith.constant 0 : i32
    %dma_start3A_8 = tpu.memref_slice %arg10[%dma_start3A] : memref<90112xf32, #tpu.memory_space<vmem>> -> memref<22528xf32, #tpu.memory_space<vmem>>
    %dma_start3A_9 = tpu.memref_slice %arg2[%multiple_of3A_7] : memref<25165824xf32, #tpu.memory_space<hbm>> -> memref<22528xf32, #tpu.memory_space<hbm>>
    %dma_start3A_10 = arith.constant 0 : i32
    %dma_start3A_11 = tpu.memref_slice %arg10[%dma_start3A_10] : memref<90112xf32, #tpu.memory_space<vmem>> -> memref<22528xf32, #tpu.memory_space<vmem>>
    %dma_start3A_12 = tpu.memref_slice %arg2[%multiple_of3A_7] : memref<25165824xf32, #tpu.memory_space<hbm>> -> memref<22528xf32, #tpu.memory_space<hbm>>
    tpu.enqueue_dma source(%dma_start3A_12 : memref<22528xf32, #tpu.memory_space<hbm>>) target(%dma_start3A_11 : memref<22528xf32, #tpu.memory_space<vmem>>) target_semaphore(%arg12 : memref<!tpu.dma_semaphore, #tpu.memory_space<semaphore_mem>>)
    %add3A_13 = arith.constant 262144 : i32
    %add3A_14 = arith.addi %add3A_13, %multiple_of3A_4 : i32
    %multiple_of3A_15 = tpu.assume_multiple %add3A_14, 512 : i32
    %dma_start3A_16 = arith.constant 22528 : i32
    %dma_start3A_17 = tpu.memref_slice %arg10[%dma_start3A_16] : memref<90112xf32, #tpu.memory_space<vmem>> -> memref<22528xf32, #tpu.memory_space<vmem>>
    %dma_start3A_18 = tpu.memref_slice %arg2[%multiple_of3A_15] : memref<25165824xf32, #tpu.memory_space<hbm>> -> memref<22528xf32, #tpu.memory_space<hbm>>
    %dma_start3A_19 = arith.constant 22528 : i32
    %dma_start3A_20 = tpu.memref_slice %arg10[%dma_start3A_19] : memref<90112xf32, #tpu.memory_space<vmem>> -> memref<22528xf32, #tpu.memory_space<vmem>>
    %dma_start3A_21 = tpu.memref_slice %arg2[%multiple_of3A_15] : memref<25165824xf32, #tpu.memory_space<hbm>> -> memref<22528xf32, #tpu.memory_space<hbm>>
    tpu.enqueue_dma source(%dma_start3A_21 : memref<22528xf32, #tpu.memory_space<hbm>>) target(%dma_start3A_20 : memref<22528xf32, #tpu.memory_space<vmem>>) target_semaphore(%arg13 : memref<!tpu.dma_semaphore, #tpu.memory_space<semaphore_mem>>)
    %scan3A = arith.constant 0 : i32
    %scan3A_22 = arith.constant 0 : i32
    %scan3A_23 = arith.constant 24 : i32
    %scan3A_24 = arith.addi %scan3A_22, %scan3A_23 : i32
    %scan3A_25 = arith.constant 1 : i32
    %scan3A_26 = scf.for %scan3A_45 = %scan3A_22 to %scan3A_24 step %scan3A_25 iter_args(%scan3A_46 = %scan3A) -> (i32)  : i32 {
      %mul3A_47 = arith.constant 2 : i32
      %mul3A_48 = arith.muli %scan3A_45, %mul3A_47 : i32
      %add3A_49 = arith.constant 0 : i32
      %add3A_50 = arith.addi %mul3A_48, %add3A_49 : i32
      %mul3A_51 = arith.constant 2 : i32
      %mul3A_52 = arith.muli %mul3A_51, %add3A_50 : i32
      %mul3A_53 = arith.constant 262144 : i32
      %mul3A_54 = arith.muli %mul3A_52, %mul3A_53 : i32
      %add3A_55 = arith.addi %mul3A_54, %multiple_of3A_4 : i32
      %multiple_of3A_56 = tpu.assume_multiple %add3A_55, 512 : i32
      %dma_wait3A_57 = arith.constant 0 : i32
      %dma_wait3A_58 = tpu.memref_slice %arg10[%dma_wait3A_57] : memref<90112xf32, #tpu.memory_space<vmem>> -> memref<22528xf32, #tpu.memory_space<vmem>>
      %dma_wait3A_59 = tpu.memref_slice %arg2[%multiple_of3A_56] : memref<25165824xf32, #tpu.memory_space<hbm>> -> memref<22528xf32, #tpu.memory_space<hbm>>
      %dma_wait3A_60 = arith.constant 0 : i32
      %dma_wait3A_61 = tpu.memref_slice %arg10[%dma_wait3A_60] : memref<90112xf32, #tpu.memory_space<vmem>> -> memref<22528xf32, #tpu.memory_space<vmem>>
      %dma_wait3A_62 = tpu.memref_slice %arg2[%multiple_of3A_56] : memref<25165824xf32, #tpu.memory_space<hbm>> -> memref<22528xf32, #tpu.memory_space<hbm>>
      tpu.wait_dma2 semaphore(%arg12 : memref<!tpu.dma_semaphore, #tpu.memory_space<semaphore_mem>>) src(%dma_wait3A_62 : memref<22528xf32, #tpu.memory_space<hbm>>) dst(%dma_wait3A_61 : memref<22528xf32, #tpu.memory_space<vmem>>)
      %add3A_63 = arith.constant 1 : i32
      %add3A_64 = arith.addi %mul3A_52, %add3A_63 : i32
      %mul3A_65 = arith.constant 262144 : i32
      %mul3A_66 = arith.muli %add3A_64, %mul3A_65 : i32
      %add3A_67 = arith.addi %mul3A_66, %multiple_of3A_4 : i32
      %multiple_of3A_68 = tpu.assume_multiple %add3A_67, 512 : i32
      %dma_wait3A_69 = arith.constant 22528 : i32
      %dma_wait3A_70 = tpu.memref_slice %arg10[%dma_wait3A_69] : memref<90112xf32, #tpu.memory_space<vmem>> -> memref<22528xf32, #tpu.memory_space<vmem>>
      %dma_wait3A_71 = tpu.memref_slice %arg2[%multiple_of3A_68] : memref<25165824xf32, #tpu.memory_space<hbm>> -> memref<22528xf32, #tpu.memory_space<hbm>>
      %dma_wait3A_72 = arith.constant 22528 : i32
      %dma_wait3A_73 = tpu.memref_slice %arg10[%dma_wait3A_72] : memref<90112xf32, #tpu.memory_space<vmem>> -> memref<22528xf32, #tpu.memory_space<vmem>>
      %dma_wait3A_74 = tpu.memref_slice %arg2[%multiple_of3A_68] : memref<25165824xf32, #tpu.memory_space<hbm>> -> memref<22528xf32, #tpu.memory_space<hbm>>
      tpu.wait_dma2 semaphore(%arg13 : memref<!tpu.dma_semaphore, #tpu.memory_space<semaphore_mem>>) src(%dma_wait3A_74 : memref<22528xf32, #tpu.memory_space<hbm>>) dst(%dma_wait3A_73 : memref<22528xf32, #tpu.memory_space<vmem>>)
      %lt3A = arith.constant 47 : i32
      %lt3A_75 = arith.cmpi slt, %add3A_50, %lt3A : i32
      %convert_element_type3A = arith.extui %lt3A_75 : i1 to i32
      %cond3A = arith.constant 0 : i32
      %cond3A_76 = arith.cmpi ne, %convert_element_type3A, %cond3A : i32
      scf.if %cond3A_76 {
        %add3A_169 = arith.constant 2 : i32
        %add3A_170 = arith.addi %mul3A_52, %add3A_169 : i32
        %mul3A_171 = arith.constant 262144 : i32
        %mul3A_172 = arith.muli %add3A_170, %mul3A_171 : i32
        %add3A_173 = arith.addi %mul3A_172, %multiple_of3A_4 : i32
        %multiple_of3A_174 = tpu.assume_multiple %add3A_173, 512 : i32
        %dma_start3A_175 = arith.constant 45056 : i32
        %dma_start3A_176 = tpu.memref_slice %arg10[%dma_start3A_175] : memref<90112xf32, #tpu.memory_space<vmem>> -> memref<22528xf32, #tpu.memory_space<vmem>>
        %dma_start3A_177 = tpu.memref_slice %arg2[%multiple_of3A_174] : memref<25165824xf32, #tpu.memory_space<hbm>> -> memref<22528xf32, #tpu.memory_space<hbm>>
        %dma_start3A_178 = arith.constant 45056 : i32
        %dma_start3A_179 = tpu.memref_slice %arg10[%dma_start3A_178] : memref<90112xf32, #tpu.memory_space<vmem>> -> memref<22528xf32, #tpu.memory_space<vmem>>
        %dma_start3A_180 = tpu.memref_slice %arg2[%multiple_of3A_174] : memref<25165824xf32, #tpu.memory_space<hbm>> -> memref<22528xf32, #tpu.memory_space<hbm>>
        tpu.enqueue_dma source(%dma_start3A_180 : memref<22528xf32, #tpu.memory_space<hbm>>) target(%dma_start3A_179 : memref<22528xf32, #tpu.memory_space<vmem>>) target_semaphore(%arg14 : memref<!tpu.dma_semaphore, #tpu.memory_space<semaphore_mem>>)
        %add3A_181 = arith.constant 3 : i32
        %add3A_182 = arith.addi %mul3A_52, %add3A_181 : i32
        %mul3A_183 = arith.constant 262144 : i32
        %mul3A_184 = arith.muli %add3A_182, %mul3A_183 : i32
        %add3A_185 = arith.addi %mul3A_184, %multiple_of3A_4 : i32
        %multiple_of3A_186 = tpu.assume_multiple %add3A_185, 512 : i32
        %dma_start3A_187 = arith.constant 67584 : i32
        %dma_start3A_188 = tpu.memref_slice %arg10[%dma_start3A_187] : memref<90112xf32, #tpu.memory_space<vmem>> -> memref<22528xf32, #tpu.memory_space<vmem>>
        %dma_start3A_189 = tpu.memref_slice %arg2[%multiple_of3A_186] : memref<25165824xf32, #tpu.memory_space<hbm>> -> memref<22528xf32, #tpu.memory_space<hbm>>
        %dma_start3A_190 = arith.constant 67584 : i32
        %dma_start3A_191 = tpu.memref_slice %arg10[%dma_start3A_190] : memref<90112xf32, #tpu.memory_space<vmem>> -> memref<22528xf32, #tpu.memory_space<vmem>>
        %dma_start3A_192 = tpu.memref_slice %arg2[%multiple_of3A_186] : memref<25165824xf32, #tpu.memory_space<hbm>> -> memref<22528xf32, #tpu.memory_space<hbm>>
        tpu.enqueue_dma source(%dma_start3A_192 : memref<22528xf32, #tpu.memory_space<hbm>>) target(%dma_start3A_191 : memref<22528xf32, #tpu.memory_space<vmem>>) target_semaphore(%arg15 : memref<!tpu.dma_semaphore, #tpu.memory_space<semaphore_mem>>)
      } else {
      }
      %ge3A = arith.constant 1 : i32
      %ge3A_77 = arith.cmpi sge, %add3A_50, %ge3A : i32
      %convert_element_type3A_78 = arith.extui %ge3A_77 : i1 to i32
      %cond3A_79 = arith.constant 0 : i32
      %cond3A_80 = arith.cmpi ne, %convert_element_type3A_78, %cond3A_79 : i32
      scf.if %cond3A_80 {
        %sub3A = arith.constant 2 : i32
        %sub3A_169 = arith.subi %mul3A_52, %sub3A : i32
        %mul3A_170 = arith.constant 262144 : i32
        %mul3A_171 = arith.muli %sub3A_169, %mul3A_170 : i32
        %add3A_172 = arith.addi %mul3A_171, %multiple_of3A : i32
        %multiple_of3A_173 = tpu.assume_multiple %add3A_172, 8192 : i32
        %dma_wait3A_174 = arith.constant 0 : i32
        %dma_wait3A_175 = tpu.memref_slice %arg11[%dma_wait3A_174] : memref<16384xf32, #tpu.memory_space<vmem>> -> memref<8192xf32, #tpu.memory_space<vmem>>
        %dma_wait3A_176 = tpu.memref_slice %arg6[%multiple_of3A_173] : memref<25165824xf32, #tpu.memory_space<hbm>> -> memref<8192xf32, #tpu.memory_space<hbm>>
        %dma_wait3A_177 = tpu.memref_slice %arg6[%multiple_of3A_173] : memref<25165824xf32, #tpu.memory_space<hbm>> -> memref<8192xf32, #tpu.memory_space<hbm>>
        %dma_wait3A_178 = arith.constant 0 : i32
        %dma_wait3A_179 = tpu.memref_slice %arg11[%dma_wait3A_178] : memref<16384xf32, #tpu.memory_space<vmem>> -> memref<8192xf32, #tpu.memory_space<vmem>>
        tpu.wait_dma2 semaphore(%arg16 : memref<!tpu.dma_semaphore, #tpu.memory_space<semaphore_mem>>) src(%dma_wait3A_179 : memref<8192xf32, #tpu.memory_space<vmem>>) dst(%dma_wait3A_177 : memref<8192xf32, #tpu.memory_space<hbm>>)
        %sub3A_180 = arith.constant 1 : i32
        %sub3A_181 = arith.subi %mul3A_52, %sub3A_180 : i32
        %mul3A_182 = arith.constant 262144 : i32
        %mul3A_183 = arith.muli %sub3A_181, %mul3A_182 : i32
        %add3A_184 = arith.addi %mul3A_183, %multiple_of3A : i32
        %multiple_of3A_185 = tpu.assume_multiple %add3A_184, 8192 : i32
        %dma_wait3A_186 = arith.constant 8192 : i32
        %dma_wait3A_187 = tpu.memref_slice %arg11[%dma_wait3A_186] : memref<16384xf32, #tpu.memory_space<vmem>> -> memref<8192xf32, #tpu.memory_space<vmem>>
        %dma_wait3A_188 = tpu.memref_slice %arg6[%multiple_of3A_185] : memref<25165824xf32, #tpu.memory_space<hbm>> -> memref<8192xf32, #tpu.memory_space<hbm>>
        %dma_wait3A_189 = tpu.memref_slice %arg6[%multiple_of3A_185] : memref<25165824xf32, #tpu.memory_space<hbm>> -> memref<8192xf32, #tpu.memory_space<hbm>>
        %dma_wait3A_190 = arith.constant 8192 : i32
        %dma_wait3A_191 = tpu.memref_slice %arg11[%dma_wait3A_190] : memref<16384xf32, #tpu.memory_space<vmem>> -> memref<8192xf32, #tpu.memory_space<vmem>>
        tpu.wait_dma2 semaphore(%arg17 : memref<!tpu.dma_semaphore, #tpu.memory_space<semaphore_mem>>) src(%dma_wait3A_191 : memref<8192xf32, #tpu.memory_space<vmem>>) dst(%dma_wait3A_189 : memref<8192xf32, #tpu.memory_space<hbm>>)
      } else {
      }
      %parallel_loop3A = arith.constant 0 : i32
      %parallel_loop3A_81 = arith.constant 8192 : i32
      %parallel_loop3A_82 = arith.constant 16 : i32
      scf.for %parallel_loop3A_169 = %parallel_loop3A to %parallel_loop3A_81 step %parallel_loop3A_82  : i32 {
        %parallel_loop3A_170 = arith.index_cast %parallel_loop3A_169 : i32 to index
        %parallel_loop3A_171 = tpu.vector_load %arg7[%parallel_loop3A_170] {strides = array<i32>} : memref<8192xi32, #tpu.memory_space<vmem>>, vector<16xi32>,
        %parallel_loop3A_172 = arith.constant 0 : i32
        %parallel_loop3A_173 = vector.broadcast %parallel_loop3A_172 : i32 to vector<16xi32>
        %parallel_loop3A_174 = arith.addi %parallel_loop3A_171, %parallel_loop3A_173 : vector<16xi32>
        %parallel_loop3A_175 = arith.index_cast %parallel_loop3A_169 : i32 to index
        %parallel_loop3A_176 = tpu.vector_load %arg8[%parallel_loop3A_175] {strides = array<i32>} : memref<8192xi32, #tpu.memory_space<vmem>>, vector<16xi32>,
        %parallel_loop3A_177 = arith.constant 65535 : i32
        %parallel_loop3A_178 = vector.broadcast %parallel_loop3A_177 : i32 to vector<16xi32>
        %parallel_loop3A_179 = arith.andi %parallel_loop3A_176, %parallel_loop3A_178 : vector<16xi32>
        %parallel_loop3A_180 = arith.sitofp %parallel_loop3A_179 : vector<16xi32> to vector<16xf32>
        %parallel_loop3A_181 = arith.constant 1.52590219E-5 : f32
        %parallel_loop3A_182 = vector.broadcast %parallel_loop3A_181 : f32 to vector<16xf32>
        %parallel_loop3A_183 = arith.mulf %parallel_loop3A_180, %parallel_loop3A_182 : vector<16xf32>
        %parallel_loop3A_184 = arith.constant 16 : i32
        %parallel_loop3A_185 = vector.broadcast %parallel_loop3A_184 : i32 to vector<16xi32>
        %parallel_loop3A_186 = arith.shrui %parallel_loop3A_176, %parallel_loop3A_185 : vector<16xi32>
        %parallel_loop3A_187 = arith.sitofp %parallel_loop3A_186 : vector<16xi32> to vector<16xf32>
        %parallel_loop3A_188 = arith.constant 1.52590219E-5 : f32
        %parallel_loop3A_189 = vector.broadcast %parallel_loop3A_188 : f32 to vector<16xf32>
        %parallel_loop3A_190 = arith.mulf %parallel_loop3A_187, %parallel_loop3A_189 : vector<16xf32>
        %parallel_loop3A_191 = tpu.vector_load_idx %arg10[%parallel_loop3A_174] : memref<90112xf32, #tpu.memory_space<vmem>>[vector<16xi32>], vector<16xf32>,
        %parallel_loop3A_192 = arith.constant 1 : i32
        %parallel_loop3A_193 = vector.broadcast %parallel_loop3A_192 : i32 to vector<16xi32>
        %parallel_loop3A_194 = arith.addi %parallel_loop3A_174, %parallel_loop3A_193 : vector<16xi32>
        %parallel_loop3A_195 = tpu.vector_load_idx %arg10[%parallel_loop3A_194] : memref<90112xf32, #tpu.memory_space<vmem>>[vector<16xi32>], vector<16xf32>,
        %parallel_loop3A_196 = arith.constant 512 : i32
        %parallel_loop3A_197 = vector.broadcast %parallel_loop3A_196 : i32 to vector<16xi32>
        %parallel_loop3A_198 = arith.addi %parallel_loop3A_174, %parallel_loop3A_197 : vector<16xi32>
        %parallel_loop3A_199 = tpu.vector_load_idx %arg10[%parallel_loop3A_198] : memref<90112xf32, #tpu.memory_space<vmem>>[vector<16xi32>], vector<16xf32>,
        %parallel_loop3A_200 = arith.constant 513 : i32
        %parallel_loop3A_201 = vector.broadcast %parallel_loop3A_200 : i32 to vector<16xi32>
        %parallel_loop3A_202 = arith.addi %parallel_loop3A_174, %parallel_loop3A_201 : vector<16xi32>
        %parallel_loop3A_203 = tpu.vector_load_idx %arg10[%parallel_loop3A_202] : memref<90112xf32, #tpu.memory_space<vmem>>[vector<16xi32>], vector<16xf32>,
        %parallel_loop3A_204 = arith.subf %parallel_loop3A_195, %parallel_loop3A_191 : vector<16xf32>
        %parallel_loop3A_205 = arith.mulf %parallel_loop3A_183, %parallel_loop3A_204 : vector<16xf32>
        %parallel_loop3A_206 = arith.addf %parallel_loop3A_191, %parallel_loop3A_205 : vector<16xf32>
        %parallel_loop3A_207 = arith.subf %parallel_loop3A_203, %parallel_loop3A_199 : vector<16xf32>
        %parallel_loop3A_208 = arith.mulf %parallel_loop3A_183, %parallel_loop3A_207 : vector<16xf32>
        %parallel_loop3A_209 = arith.addf %parallel_loop3A_199, %parallel_loop3A_208 : vector<16xf32>
        %parallel_loop3A_210 = arith.subf %parallel_loop3A_209, %parallel_loop3A_206 : vector<16xf32>
        %parallel_loop3A_211 = arith.mulf %parallel_loop3A_190, %parallel_loop3A_210 : vector<16xf32>
        %parallel_loop3A_212 = arith.addf %parallel_loop3A_206, %parallel_loop3A_211 : vector<16xf32>
        %parallel_loop3A_213 = arith.index_cast %parallel_loop3A_169 : i32 to index
        %parallel_loop3A_214 = tpu.vector_load %arg11[%parallel_loop3A_213] {strides = array<i32>} : memref<16384xf32, #tpu.memory_space<vmem>>, vector<16xf32>,
        tpu.vector_store %arg11[%parallel_loop3A_213], %parallel_loop3A_212 {strides = array<i32>} : memref<16384xf32, #tpu.memory_space<vmem>>, vector<16xf32>,
        %parallel_loop3A_215 = arith.constant 22528 : i32
        %parallel_loop3A_216 = vector.broadcast %parallel_loop3A_215 : i32 to vector<16xi32>
        %parallel_loop3A_217 = arith.addi %parallel_loop3A_174, %parallel_loop3A_216 : vector<16xi32>
        %parallel_loop3A_218 = tpu.vector_load_idx %arg10[%parallel_loop3A_217] : memref<90112xf32, #tpu.memory_space<vmem>>[vector<16xi32>], vector<16xf32>,
        %parallel_loop3A_219 = arith.constant 1 : i32
        %parallel_loop3A_220 = vector.broadcast %parallel_loop3A_219 : i32 to vector<16xi32>
        %parallel_loop3A_221 = arith.addi %parallel_loop3A_217, %parallel_loop3A_220 : vector<16xi32>
        %parallel_loop3A_222 = tpu.vector_load_idx %arg10[%parallel_loop3A_221] : memref<90112xf32, #tpu.memory_space<vmem>>[vector<16xi32>], vector<16xf32>,
        %parallel_loop3A_223 = arith.constant 512 : i32
        %parallel_loop3A_224 = vector.broadcast %parallel_loop3A_223 : i32 to vector<16xi32>
        %parallel_loop3A_225 = arith.addi %parallel_loop3A_217, %parallel_loop3A_224 : vector<16xi32>
        %parallel_loop3A_226 = tpu.vector_load_idx %arg10[%parallel_loop3A_225] : memref<90112xf32, #tpu.memory_space<vmem>>[vector<16xi32>], vector<16xf32>,
        %parallel_loop3A_227 = arith.constant 513 : i32
        %parallel_loop3A_228 = vector.broadcast %parallel_loop3A_227 : i32 to vector<16xi32>
        %parallel_loop3A_229 = arith.addi %parallel_loop3A_217, %parallel_loop3A_228 : vector<16xi32>
        %parallel_loop3A_230 = tpu.vector_load_idx %arg10[%parallel_loop3A_229] : memref<90112xf32, #tpu.memory_space<vmem>>[vector<16xi32>], vector<16xf32>,
        %parallel_loop3A_231 = arith.subf %parallel_loop3A_222, %parallel_loop3A_218 : vector<16xf32>
        %parallel_loop3A_232 = arith.mulf %parallel_loop3A_183, %parallel_loop3A_231 : vector<16xf32>
        %parallel_loop3A_233 = arith.addf %parallel_loop3A_218, %parallel_loop3A_232 : vector<16xf32>
        %parallel_loop3A_234 = arith.subf %parallel_loop3A_230, %parallel_loop3A_226 : vector<16xf32>
        %parallel_loop3A_235 = arith.mulf %parallel_loop3A_183, %parallel_loop3A_234 : vector<16xf32>
        %parallel_loop3A_236 = arith.addf %parallel_loop3A_226, %parallel_loop3A_235 : vector<16xf32>
        %parallel_loop3A_237 = arith.subf %parallel_loop3A_236, %parallel_loop3A_233 : vector<16xf32>
        %parallel_loop3A_238 = arith.mulf %parallel_loop3A_190, %parallel_loop3A_237 : vector<16xf32>
        %parallel_loop3A_239 = arith.addf %parallel_loop3A_233, %parallel_loop3A_238 : vector<16xf32>
        %parallel_loop3A_240 = arith.constant 8192 : i32
        %parallel_loop3A_241 = arith.addi %parallel_loop3A_240, %parallel_loop3A_169 : i32
        %parallel_loop3A_242 = arith.index_cast %parallel_loop3A_241 : i32 to index
        %parallel_loop3A_243 = tpu.vector_load %arg11[%parallel_loop3A_242] {strides = array<i32>} : memref<16384xf32, #tpu.memory_space<vmem>>, vector<16xf32>,
        tpu.vector_store %arg11[%parallel_loop3A_242], %parallel_loop3A_239 {strides = array<i32>} : memref<16384xf32, #tpu.memory_space<vmem>>, vector<16xf32>,
      } {sc.loop_unroll_factor = 4 : i64, sc.parallel_access}
      %mul3A_83 = arith.constant 262144 : i32
      %mul3A_84 = arith.muli %mul3A_52, %mul3A_83 : i32
      %add3A_85 = arith.addi %mul3A_84, %multiple_of3A : i32
      %multiple_of3A_86 = tpu.assume_multiple %add3A_85, 8192 : i32
      %dma_start3A_87 = arith.constant 0 : i32
      %dma_start3A_88 = tpu.memref_slice %arg11[%dma_start3A_87] : memref<16384xf32, #tpu.memory_space<vmem>> -> memref<8192xf32, #tpu.memory_space<vmem>>
      %dma_start3A_89 = tpu.memref_slice %arg6[%multiple_of3A_86] : memref<25165824xf32, #tpu.memory_space<hbm>> -> memref<8192xf32, #tpu.memory_space<hbm>>
      %dma_start3A_90 = tpu.memref_slice %arg6[%multiple_of3A_86] : memref<25165824xf32, #tpu.memory_space<hbm>> -> memref<8192xf32, #tpu.memory_space<hbm>>
      %dma_start3A_91 = arith.constant 0 : i32
      %dma_start3A_92 = tpu.memref_slice %arg11[%dma_start3A_91] : memref<16384xf32, #tpu.memory_space<vmem>> -> memref<8192xf32, #tpu.memory_space<vmem>>
      tpu.enqueue_dma source(%dma_start3A_92 : memref<8192xf32, #tpu.memory_space<vmem>>) target(%dma_start3A_90 : memref<8192xf32, #tpu.memory_space<hbm>>) target_semaphore(%arg16 : memref<!tpu.dma_semaphore, #tpu.memory_space<semaphore_mem>>)
      %add3A_93 = arith.constant 1 : i32
      %add3A_94 = arith.addi %mul3A_52, %add3A_93 : i32
      %mul3A_95 = arith.constant 262144 : i32
      %mul3A_96 = arith.muli %add3A_94, %mul3A_95 : i32
      %add3A_97 = arith.addi %mul3A_96, %multiple_of3A : i32
      %multiple_of3A_98 = tpu.assume_multiple %add3A_97, 8192 : i32
      %dma_start3A_99 = arith.constant 8192 : i32
      %dma_start3A_100 = tpu.memref_slice %arg11[%dma_start3A_99] : memref<16384xf32, #tpu.memory_space<vmem>> -> memref<8192xf32, #tpu.memory_space<vmem>>
      %dma_start3A_101 = tpu.memref_slice %arg6[%multiple_of3A_98] : memref<25165824xf32, #tpu.memory_space<hbm>> -> memref<8192xf32, #tpu.memory_space<hbm>>
      %dma_start3A_102 = tpu.memref_slice %arg6[%multiple_of3A_98] : memref<25165824xf32, #tpu.memory_space<hbm>> -> memref<8192xf32, #tpu.memory_space<hbm>>
      %dma_start3A_103 = arith.constant 8192 : i32
      %dma_start3A_104 = tpu.memref_slice %arg11[%dma_start3A_103] : memref<16384xf32, #tpu.memory_space<vmem>> -> memref<8192xf32, #tpu.memory_space<vmem>>
      tpu.enqueue_dma source(%dma_start3A_104 : memref<8192xf32, #tpu.memory_space<vmem>>) target(%dma_start3A_102 : memref<8192xf32, #tpu.memory_space<hbm>>) target_semaphore(%arg17 : memref<!tpu.dma_semaphore, #tpu.memory_space<semaphore_mem>>)
      %mul3A_105 = arith.constant 2 : i32
      %mul3A_106 = arith.muli %scan3A_45, %mul3A_105 : i32
      %add3A_107 = arith.constant 1 : i32
      %add3A_108 = arith.addi %mul3A_106, %add3A_107 : i32
      %mul3A_109 = arith.constant 2 : i32
      %mul3A_110 = arith.muli %mul3A_109, %add3A_108 : i32
      %mul3A_111 = arith.constant 262144 : i32
      %mul3A_112 = arith.muli %mul3A_110, %mul3A_111 : i32
      %add3A_113 = arith.addi %mul3A_112, %multiple_of3A_4 : i32
      %multiple_of3A_114 = tpu.assume_multiple %add3A_113, 512 : i32
      %dma_wait3A_115 = arith.constant 45056 : i32
      %dma_wait3A_116 = tpu.memref_slice %arg10[%dma_wait3A_115] : memref<90112xf32, #tpu.memory_space<vmem>> -> memref<22528xf32, #tpu.memory_space<vmem>>
      %dma_wait3A_117 = tpu.memref_slice %arg2[%multiple_of3A_114] : memref<25165824xf32, #tpu.memory_space<hbm>> -> memref<22528xf32, #tpu.memory_space<hbm>>
      %dma_wait3A_118 = arith.constant 45056 : i32
      %dma_wait3A_119 = tpu.memref_slice %arg10[%dma_wait3A_118] : memref<90112xf32, #tpu.memory_space<vmem>> -> memref<22528xf32, #tpu.memory_space<vmem>>
      %dma_wait3A_120 = tpu.memref_slice %arg2[%multiple_of3A_114] : memref<25165824xf32, #tpu.memory_space<hbm>> -> memref<22528xf32, #tpu.memory_space<hbm>>
      tpu.wait_dma2 semaphore(%arg14 : memref<!tpu.dma_semaphore, #tpu.memory_space<semaphore_mem>>) src(%dma_wait3A_120 : memref<22528xf32, #tpu.memory_space<hbm>>) dst(%dma_wait3A_119 : memref<22528xf32, #tpu.memory_space<vmem>>)
      %add3A_121 = arith.constant 1 : i32
      %add3A_122 = arith.addi %mul3A_110, %add3A_121 : i32
      %mul3A_123 = arith.constant 262144 : i32
      %mul3A_124 = arith.muli %add3A_122, %mul3A_123 : i32
      %add3A_125 = arith.addi %mul3A_124, %multiple_of3A_4 : i32
      %multiple_of3A_126 = tpu.assume_multiple %add3A_125, 512 : i32
      %dma_wait3A_127 = arith.constant 67584 : i32
      %dma_wait3A_128 = tpu.memref_slice %arg10[%dma_wait3A_127] : memref<90112xf32, #tpu.memory_space<vmem>> -> memref<22528xf32, #tpu.memory_space<vmem>>
      %dma_wait3A_129 = tpu.memref_slice %arg2[%multiple_of3A_126] : memref<25165824xf32, #tpu.memory_space<hbm>> -> memref<22528xf32, #tpu.memory_space<hbm>>
      %dma_wait3A_130 = arith.constant 67584 : i32
      %dma_wait3A_131 = tpu.memref_slice %arg10[%dma_wait3A_130] : memref<90112xf32, #tpu.memory_space<vmem>> -> memref<22528xf32, #tpu.memory_space<vmem>>
      %dma_wait3A_132 = tpu.memref_slice %arg2[%multiple_of3A_126] : memref<25165824xf32, #tpu.memory_space<hbm>> -> memref<22528xf32, #tpu.memory_space<hbm>>
      tpu.wait_dma2 semaphore(%arg15 : memref<!tpu.dma_semaphore, #tpu.memory_space<semaphore_mem>>) src(%dma_wait3A_132 : memref<22528xf32, #tpu.memory_space<hbm>>) dst(%dma_wait3A_131 : memref<22528xf32, #tpu.memory_space<vmem>>)
      %lt3A_133 = arith.constant 47 : i32
      %lt3A_134 = arith.cmpi slt, %add3A_108, %lt3A_133 : i32
      %convert_element_type3A_135 = arith.extui %lt3A_134 : i1 to i32
      %cond3A_136 = arith.constant 0 : i32
      %cond3A_137 = arith.cmpi ne, %convert_element_type3A_135, %cond3A_136 : i32
      scf.if %cond3A_137 {
        %add3A_169 = arith.constant 2 : i32
        %add3A_170 = arith.addi %mul3A_110, %add3A_169 : i32
        %mul3A_171 = arith.constant 262144 : i32
        %mul3A_172 = arith.muli %add3A_170, %mul3A_171 : i32
        %add3A_173 = arith.addi %mul3A_172, %multiple_of3A_4 : i32
        %multiple_of3A_174 = tpu.assume_multiple %add3A_173, 512 : i32
        %dma_start3A_175 = arith.constant 0 : i32
        %dma_start3A_176 = tpu.memref_slice %arg10[%dma_start3A_175] : memref<90112xf32, #tpu.memory_space<vmem>> -> memref<22528xf32, #tpu.memory_space<vmem>>
        %dma_start3A_177 = tpu.memref_slice %arg2[%multiple_of3A_174] : memref<25165824xf32, #tpu.memory_space<hbm>> -> memref<22528xf32, #tpu.memory_space<hbm>>
        %dma_start3A_178 = arith.constant 0 : i32
        %dma_start3A_179 = tpu.memref_slice %arg10[%dma_start3A_178] : memref<90112xf32, #tpu.memory_space<vmem>> -> memref<22528xf32, #tpu.memory_space<vmem>>
        %dma_start3A_180 = tpu.memref_slice %arg2[%multiple_of3A_174] : memref<25165824xf32, #tpu.memory_space<hbm>> -> memref<22528xf32, #tpu.memory_space<hbm>>
        tpu.enqueue_dma source(%dma_start3A_180 : memref<22528xf32, #tpu.memory_space<hbm>>) target(%dma_start3A_179 : memref<22528xf32, #tpu.memory_space<vmem>>) target_semaphore(%arg12 : memref<!tpu.dma_semaphore, #tpu.memory_space<semaphore_mem>>)
        %add3A_181 = arith.constant 3 : i32
        %add3A_182 = arith.addi %mul3A_110, %add3A_181 : i32
        %mul3A_183 = arith.constant 262144 : i32
        %mul3A_184 = arith.muli %add3A_182, %mul3A_183 : i32
        %add3A_185 = arith.addi %mul3A_184, %multiple_of3A_4 : i32
        %multiple_of3A_186 = tpu.assume_multiple %add3A_185, 512 : i32
        %dma_start3A_187 = arith.constant 22528 : i32
        %dma_start3A_188 = tpu.memref_slice %arg10[%dma_start3A_187] : memref<90112xf32, #tpu.memory_space<vmem>> -> memref<22528xf32, #tpu.memory_space<vmem>>
        %dma_start3A_189 = tpu.memref_slice %arg2[%multiple_of3A_186] : memref<25165824xf32, #tpu.memory_space<hbm>> -> memref<22528xf32, #tpu.memory_space<hbm>>
        %dma_start3A_190 = arith.constant 22528 : i32
        %dma_start3A_191 = tpu.memref_slice %arg10[%dma_start3A_190] : memref<90112xf32, #tpu.memory_space<vmem>> -> memref<22528xf32, #tpu.memory_space<vmem>>
        %dma_start3A_192 = tpu.memref_slice %arg2[%multiple_of3A_186] : memref<25165824xf32, #tpu.memory_space<hbm>> -> memref<22528xf32, #tpu.memory_space<hbm>>
        tpu.enqueue_dma source(%dma_start3A_192 : memref<22528xf32, #tpu.memory_space<hbm>>) target(%dma_start3A_191 : memref<22528xf32, #tpu.memory_space<vmem>>) target_semaphore(%arg13 : memref<!tpu.dma_semaphore, #tpu.memory_space<semaphore_mem>>)
      } else {
      }
      %ge3A_138 = arith.constant 1 : i32
      %ge3A_139 = arith.cmpi sge, %add3A_108, %ge3A_138 : i32
      %convert_element_type3A_140 = arith.extui %ge3A_139 : i1 to i32
      %cond3A_141 = arith.constant 0 : i32
      %cond3A_142 = arith.cmpi ne, %convert_element_type3A_140, %cond3A_141 : i32
      scf.if %cond3A_142 {
        %sub3A = arith.constant 2 : i32
        %sub3A_169 = arith.subi %mul3A_110, %sub3A : i32
        %mul3A_170 = arith.constant 262144 : i32
        %mul3A_171 = arith.muli %sub3A_169, %mul3A_170 : i32
        %add3A_172 = arith.addi %mul3A_171, %multiple_of3A : i32
        %multiple_of3A_173 = tpu.assume_multiple %add3A_172, 8192 : i32
        %dma_wait3A_174 = arith.constant 0 : i32
        %dma_wait3A_175 = tpu.memref_slice %arg11[%dma_wait3A_174] : memref<16384xf32, #tpu.memory_space<vmem>> -> memref<8192xf32, #tpu.memory_space<vmem>>
        %dma_wait3A_176 = tpu.memref_slice %arg6[%multiple_of3A_173] : memref<25165824xf32, #tpu.memory_space<hbm>> -> memref<8192xf32, #tpu.memory_space<hbm>>
        %dma_wait3A_177 = tpu.memref_slice %arg6[%multiple_of3A_173] : memref<25165824xf32, #tpu.memory_space<hbm>> -> memref<8192xf32, #tpu.memory_space<hbm>>
        %dma_wait3A_178 = arith.constant 0 : i32
        %dma_wait3A_179 = tpu.memref_slice %arg11[%dma_wait3A_178] : memref<16384xf32, #tpu.memory_space<vmem>> -> memref<8192xf32, #tpu.memory_space<vmem>>
        tpu.wait_dma2 semaphore(%arg16 : memref<!tpu.dma_semaphore, #tpu.memory_space<semaphore_mem>>) src(%dma_wait3A_179 : memref<8192xf32, #tpu.memory_space<vmem>>) dst(%dma_wait3A_177 : memref<8192xf32, #tpu.memory_space<hbm>>)
        %sub3A_180 = arith.constant 1 : i32
        %sub3A_181 = arith.subi %mul3A_110, %sub3A_180 : i32
        %mul3A_182 = arith.constant 262144 : i32
        %mul3A_183 = arith.muli %sub3A_181, %mul3A_182 : i32
        %add3A_184 = arith.addi %mul3A_183, %multiple_of3A : i32
        %multiple_of3A_185 = tpu.assume_multiple %add3A_184, 8192 : i32
        %dma_wait3A_186 = arith.constant 8192 : i32
        %dma_wait3A_187 = tpu.memref_slice %arg11[%dma_wait3A_186] : memref<16384xf32, #tpu.memory_space<vmem>> -> memref<8192xf32, #tpu.memory_space<vmem>>
        %dma_wait3A_188 = tpu.memref_slice %arg6[%multiple_of3A_185] : memref<25165824xf32, #tpu.memory_space<hbm>> -> memref<8192xf32, #tpu.memory_space<hbm>>
        %dma_wait3A_189 = tpu.memref_slice %arg6[%multiple_of3A_185] : memref<25165824xf32, #tpu.memory_space<hbm>> -> memref<8192xf32, #tpu.memory_space<hbm>>
        %dma_wait3A_190 = arith.constant 8192 : i32
        %dma_wait3A_191 = tpu.memref_slice %arg11[%dma_wait3A_190] : memref<16384xf32, #tpu.memory_space<vmem>> -> memref<8192xf32, #tpu.memory_space<vmem>>
        tpu.wait_dma2 semaphore(%arg17 : memref<!tpu.dma_semaphore, #tpu.memory_space<semaphore_mem>>) src(%dma_wait3A_191 : memref<8192xf32, #tpu.memory_space<vmem>>) dst(%dma_wait3A_189 : memref<8192xf32, #tpu.memory_space<hbm>>)
      } else {
      }
      %parallel_loop3A_143 = arith.constant 0 : i32
      %parallel_loop3A_144 = arith.constant 8192 : i32
      %parallel_loop3A_145 = arith.constant 16 : i32
      scf.for %parallel_loop3A_169 = %parallel_loop3A_143 to %parallel_loop3A_144 step %parallel_loop3A_145  : i32 {
        %parallel_loop3A_170 = arith.index_cast %parallel_loop3A_169 : i32 to index
        %parallel_loop3A_171 = tpu.vector_load %arg7[%parallel_loop3A_170] {strides = array<i32>} : memref<8192xi32, #tpu.memory_space<vmem>>, vector<16xi32>,
        %parallel_loop3A_172 = arith.constant 45056 : i32
        %parallel_loop3A_173 = vector.broadcast %parallel_loop3A_172 : i32 to vector<16xi32>
        %parallel_loop3A_174 = arith.addi %parallel_loop3A_171, %parallel_loop3A_173 : vector<16xi32>
        %parallel_loop3A_175 = arith.index_cast %parallel_loop3A_169 : i32 to index
        %parallel_loop3A_176 = tpu.vector_load %arg8[%parallel_loop3A_175] {strides = array<i32>} : memref<8192xi32, #tpu.memory_space<vmem>>, vector<16xi32>,
        %parallel_loop3A_177 = arith.constant 65535 : i32
        %parallel_loop3A_178 = vector.broadcast %parallel_loop3A_177 : i32 to vector<16xi32>
        %parallel_loop3A_179 = arith.andi %parallel_loop3A_176, %parallel_loop3A_178 : vector<16xi32>
        %parallel_loop3A_180 = arith.sitofp %parallel_loop3A_179 : vector<16xi32> to vector<16xf32>
        %parallel_loop3A_181 = arith.constant 1.52590219E-5 : f32
        %parallel_loop3A_182 = vector.broadcast %parallel_loop3A_181 : f32 to vector<16xf32>
        %parallel_loop3A_183 = arith.mulf %parallel_loop3A_180, %parallel_loop3A_182 : vector<16xf32>
        %parallel_loop3A_184 = arith.constant 16 : i32
        %parallel_loop3A_185 = vector.broadcast %parallel_loop3A_184 : i32 to vector<16xi32>
        %parallel_loop3A_186 = arith.shrui %parallel_loop3A_176, %parallel_loop3A_185 : vector<16xi32>
        %parallel_loop3A_187 = arith.sitofp %parallel_loop3A_186 : vector<16xi32> to vector<16xf32>
        %parallel_loop3A_188 = arith.constant 1.52590219E-5 : f32
        %parallel_loop3A_189 = vector.broadcast %parallel_loop3A_188 : f32 to vector<16xf32>
        %parallel_loop3A_190 = arith.mulf %parallel_loop3A_187, %parallel_loop3A_189 : vector<16xf32>
        %parallel_loop3A_191 = tpu.vector_load_idx %arg10[%parallel_loop3A_174] : memref<90112xf32, #tpu.memory_space<vmem>>[vector<16xi32>], vector<16xf32>,
        %parallel_loop3A_192 = arith.constant 1 : i32
        %parallel_loop3A_193 = vector.broadcast %parallel_loop3A_192 : i32 to vector<16xi32>
        %parallel_loop3A_194 = arith.addi %parallel_loop3A_174, %parallel_loop3A_193 : vector<16xi32>
        %parallel_loop3A_195 = tpu.vector_load_idx %arg10[%parallel_loop3A_194] : memref<90112xf32, #tpu.memory_space<vmem>>[vector<16xi32>], vector<16xf32>,
        %parallel_loop3A_196 = arith.constant 512 : i32
        %parallel_loop3A_197 = vector.broadcast %parallel_loop3A_196 : i32 to vector<16xi32>
        %parallel_loop3A_198 = arith.addi %parallel_loop3A_174, %parallel_loop3A_197 : vector<16xi32>
        %parallel_loop3A_199 = tpu.vector_load_idx %arg10[%parallel_loop3A_198] : memref<90112xf32, #tpu.memory_space<vmem>>[vector<16xi32>], vector<16xf32>,
        %parallel_loop3A_200 = arith.constant 513 : i32
        %parallel_loop3A_201 = vector.broadcast %parallel_loop3A_200 : i32 to vector<16xi32>
        %parallel_loop3A_202 = arith.addi %parallel_loop3A_174, %parallel_loop3A_201 : vector<16xi32>
        %parallel_loop3A_203 = tpu.vector_load_idx %arg10[%parallel_loop3A_202] : memref<90112xf32, #tpu.memory_space<vmem>>[vector<16xi32>], vector<16xf32>,
        %parallel_loop3A_204 = arith.subf %parallel_loop3A_195, %parallel_loop3A_191 : vector<16xf32>
        %parallel_loop3A_205 = arith.mulf %parallel_loop3A_183, %parallel_loop3A_204 : vector<16xf32>
        %parallel_loop3A_206 = arith.addf %parallel_loop3A_191, %parallel_loop3A_205 : vector<16xf32>
        %parallel_loop3A_207 = arith.subf %parallel_loop3A_203, %parallel_loop3A_199 : vector<16xf32>
        %parallel_loop3A_208 = arith.mulf %parallel_loop3A_183, %parallel_loop3A_207 : vector<16xf32>
        %parallel_loop3A_209 = arith.addf %parallel_loop3A_199, %parallel_loop3A_208 : vector<16xf32>
        %parallel_loop3A_210 = arith.subf %parallel_loop3A_209, %parallel_loop3A_206 : vector<16xf32>
        %parallel_loop3A_211 = arith.mulf %parallel_loop3A_190, %parallel_loop3A_210 : vector<16xf32>
        %parallel_loop3A_212 = arith.addf %parallel_loop3A_206, %parallel_loop3A_211 : vector<16xf32>
        %parallel_loop3A_213 = arith.index_cast %parallel_loop3A_169 : i32 to index
        %parallel_loop3A_214 = tpu.vector_load %arg11[%parallel_loop3A_213] {strides = array<i32>} : memref<16384xf32, #tpu.memory_space<vmem>>, vector<16xf32>,
        tpu.vector_store %arg11[%parallel_loop3A_213], %parallel_loop3A_212 {strides = array<i32>} : memref<16384xf32, #tpu.memory_space<vmem>>, vector<16xf32>,
        %parallel_loop3A_215 = arith.constant 22528 : i32
        %parallel_loop3A_216 = vector.broadcast %parallel_loop3A_215 : i32 to vector<16xi32>
        %parallel_loop3A_217 = arith.addi %parallel_loop3A_174, %parallel_loop3A_216 : vector<16xi32>
        %parallel_loop3A_218 = tpu.vector_load_idx %arg10[%parallel_loop3A_217] : memref<90112xf32, #tpu.memory_space<vmem>>[vector<16xi32>], vector<16xf32>,
        %parallel_loop3A_219 = arith.constant 1 : i32
        %parallel_loop3A_220 = vector.broadcast %parallel_loop3A_219 : i32 to vector<16xi32>
        %parallel_loop3A_221 = arith.addi %parallel_loop3A_217, %parallel_loop3A_220 : vector<16xi32>
        %parallel_loop3A_222 = tpu.vector_load_idx %arg10[%parallel_loop3A_221] : memref<90112xf32, #tpu.memory_space<vmem>>[vector<16xi32>], vector<16xf32>,
        %parallel_loop3A_223 = arith.constant 512 : i32
        %parallel_loop3A_224 = vector.broadcast %parallel_loop3A_223 : i32 to vector<16xi32>
        %parallel_loop3A_225 = arith.addi %parallel_loop3A_217, %parallel_loop3A_224 : vector<16xi32>
        %parallel_loop3A_226 = tpu.vector_load_idx %arg10[%parallel_loop3A_225] : memref<90112xf32, #tpu.memory_space<vmem>>[vector<16xi32>], vector<16xf32>,
        %parallel_loop3A_227 = arith.constant 513 : i32
        %parallel_loop3A_228 = vector.broadcast %parallel_loop3A_227 : i32 to vector<16xi32>
        %parallel_loop3A_229 = arith.addi %parallel_loop3A_217, %parallel_loop3A_228 : vector<16xi32>
        %parallel_loop3A_230 = tpu.vector_load_idx %arg10[%parallel_loop3A_229] : memref<90112xf32, #tpu.memory_space<vmem>>[vector<16xi32>], vector<16xf32>,
        %parallel_loop3A_231 = arith.subf %parallel_loop3A_222, %parallel_loop3A_218 : vector<16xf32>
        %parallel_loop3A_232 = arith.mulf %parallel_loop3A_183, %parallel_loop3A_231 : vector<16xf32>
        %parallel_loop3A_233 = arith.addf %parallel_loop3A_218, %parallel_loop3A_232 : vector<16xf32>
        %parallel_loop3A_234 = arith.subf %parallel_loop3A_230, %parallel_loop3A_226 : vector<16xf32>
        %parallel_loop3A_235 = arith.mulf %parallel_loop3A_183, %parallel_loop3A_234 : vector<16xf32>
        %parallel_loop3A_236 = arith.addf %parallel_loop3A_226, %parallel_loop3A_235 : vector<16xf32>
        %parallel_loop3A_237 = arith.subf %parallel_loop3A_236, %parallel_loop3A_233 : vector<16xf32>
        %parallel_loop3A_238 = arith.mulf %parallel_loop3A_190, %parallel_loop3A_237 : vector<16xf32>
        %parallel_loop3A_239 = arith.addf %parallel_loop3A_233, %parallel_loop3A_238 : vector<16xf32>
        %parallel_loop3A_240 = arith.constant 8192 : i32
        %parallel_loop3A_241 = arith.addi %parallel_loop3A_240, %parallel_loop3A_169 : i32
        %parallel_loop3A_242 = arith.index_cast %parallel_loop3A_241 : i32 to index
        %parallel_loop3A_243 = tpu.vector_load %arg11[%parallel_loop3A_242] {strides = array<i32>} : memref<16384xf32, #tpu.memory_space<vmem>>, vector<16xf32>,
        tpu.vector_store %arg11[%parallel_loop3A_242], %parallel_loop3A_239 {strides = array<i32>} : memref<16384xf32, #tpu.memory_space<vmem>>, vector<16xf32>,
      } {sc.loop_unroll_factor = 4 : i64, sc.parallel_access}
      %mul3A_146 = arith.constant 262144 : i32
      %mul3A_147 = arith.muli %mul3A_110, %mul3A_146 : i32
      %add3A_148 = arith.addi %mul3A_147, %multiple_of3A : i32
      %multiple_of3A_149 = tpu.assume_multiple %add3A_148, 8192 : i32
      %dma_start3A_150 = arith.constant 0 : i32
      %dma_start3A_151 = tpu.memref_slice %arg11[%dma_start3A_150] : memref<16384xf32, #tpu.memory_space<vmem>> -> memref<8192xf32, #tpu.memory_space<vmem>>
      %dma_start3A_152 = tpu.memref_slice %arg6[%multiple_of3A_149] : memref<25165824xf32, #tpu.memory_space<hbm>> -> memref<8192xf32, #tpu.memory_space<hbm>>
      %dma_start3A_153 = tpu.memref_slice %arg6[%multiple_of3A_149] : memref<25165824xf32, #tpu.memory_space<hbm>> -> memref<8192xf32, #tpu.memory_space<hbm>>
      %dma_start3A_154 = arith.constant 0 : i32
      %dma_start3A_155 = tpu.memref_slice %arg11[%dma_start3A_154] : memref<16384xf32, #tpu.memory_space<vmem>> -> memref<8192xf32, #tpu.memory_space<vmem>>
      tpu.enqueue_dma source(%dma_start3A_155 : memref<8192xf32, #tpu.memory_space<vmem>>) target(%dma_start3A_153 : memref<8192xf32, #tpu.memory_space<hbm>>) target_semaphore(%arg16 : memref<!tpu.dma_semaphore, #tpu.memory_space<semaphore_mem>>)
      %add3A_156 = arith.constant 1 : i32
      %add3A_157 = arith.addi %mul3A_110, %add3A_156 : i32
      %mul3A_158 = arith.constant 262144 : i32
      %mul3A_159 = arith.muli %add3A_157, %mul3A_158 : i32
      %add3A_160 = arith.addi %mul3A_159, %multiple_of3A : i32
      %multiple_of3A_161 = tpu.assume_multiple %add3A_160, 8192 : i32
      %dma_start3A_162 = arith.constant 8192 : i32
      %dma_start3A_163 = tpu.memref_slice %arg11[%dma_start3A_162] : memref<16384xf32, #tpu.memory_space<vmem>> -> memref<8192xf32, #tpu.memory_space<vmem>>
      %dma_start3A_164 = tpu.memref_slice %arg6[%multiple_of3A_161] : memref<25165824xf32, #tpu.memory_space<hbm>> -> memref<8192xf32, #tpu.memory_space<hbm>>
      %dma_start3A_165 = tpu.memref_slice %arg6[%multiple_of3A_161] : memref<25165824xf32, #tpu.memory_space<hbm>> -> memref<8192xf32, #tpu.memory_space<hbm>>
      %dma_start3A_166 = arith.constant 8192 : i32
      %dma_start3A_167 = tpu.memref_slice %arg11[%dma_start3A_166] : memref<16384xf32, #tpu.memory_space<vmem>> -> memref<8192xf32, #tpu.memory_space<vmem>>
      tpu.enqueue_dma source(%dma_start3A_167 : memref<8192xf32, #tpu.memory_space<vmem>>) target(%dma_start3A_165 : memref<8192xf32, #tpu.memory_space<hbm>>) target_semaphore(%arg17 : memref<!tpu.dma_semaphore, #tpu.memory_space<semaphore_mem>>)
      %scan3A_168 = arith.constant 0 : i32
      scf.yield %scan3A_168 : i32
    }
    %scan3A_27 = arith.constant 24 : i32
    %add3A_28 = arith.constant 24641536 : i32
    %add3A_29 = arith.addi %add3A_28, %multiple_of3A : i32
    %multiple_of3A_30 = tpu.assume_multiple %add3A_29, 8192 : i32
    %dma_wait3A = arith.constant 0 : i32
    %dma_wait3A_31 = tpu.memref_slice %arg11[%dma_wait3A] : memref<16384xf32, #tpu.memory_space<vmem>> -> memref<8192xf32, #tpu.memory_space<vmem>>
    %dma_wait3A_32 = tpu.memref_slice %arg6[%multiple_of3A_30] : memref<25165824xf32, #tpu.memory_space<hbm>> -> memref<8192xf32, #tpu.memory_space<hbm>>
    %dma_wait3A_33 = tpu.memref_slice %arg6[%multiple_of3A_30] : memref<25165824xf32, #tpu.memory_space<hbm>> -> memref<8192xf32, #tpu.memory_space<hbm>>
    %dma_wait3A_34 = arith.constant 0 : i32
    %dma_wait3A_35 = tpu.memref_slice %arg11[%dma_wait3A_34] : memref<16384xf32, #tpu.memory_space<vmem>> -> memref<8192xf32, #tpu.memory_space<vmem>>
    tpu.wait_dma2 semaphore(%arg16 : memref<!tpu.dma_semaphore, #tpu.memory_space<semaphore_mem>>) src(%dma_wait3A_35 : memref<8192xf32, #tpu.memory_space<vmem>>) dst(%dma_wait3A_33 : memref<8192xf32, #tpu.memory_space<hbm>>)
    %add3A_36 = arith.constant 24903680 : i32
    %add3A_37 = arith.addi %add3A_36, %multiple_of3A : i32
    %multiple_of3A_38 = tpu.assume_multiple %add3A_37, 8192 : i32
    %dma_wait3A_39 = arith.constant 8192 : i32
    %dma_wait3A_40 = tpu.memref_slice %arg11[%dma_wait3A_39] : memref<16384xf32, #tpu.memory_space<vmem>> -> memref<8192xf32, #tpu.memory_space<vmem>>
    %dma_wait3A_41 = tpu.memref_slice %arg6[%multiple_of3A_38] : memref<25165824xf32, #tpu.memory_space<hbm>> -> memref<8192xf32, #tpu.memory_space<hbm>>
    %dma_wait3A_42 = tpu.memref_slice %arg6[%multiple_of3A_38] : memref<25165824xf32, #tpu.memory_space<hbm>> -> memref<8192xf32, #tpu.memory_space<hbm>>
    %dma_wait3A_43 = arith.constant 8192 : i32
    %dma_wait3A_44 = tpu.memref_slice %arg11[%dma_wait3A_43] : memref<16384xf32, #tpu.memory_space<vmem>> -> memref<8192xf32, #tpu.memory_space<vmem>>
    tpu.wait_dma2 semaphore(%arg17 : memref<!tpu.dma_semaphore, #tpu.memory_space<semaphore_mem>>) src(%dma_wait3A_44 : memref<8192xf32, #tpu.memory_space<vmem>>) dst(%dma_wait3A_42 : memref<8192xf32, #tpu.memory_space<hbm>>)
    return
  }
}

</mosaic_0001>

<sc_bundles>
// kernel: kernel.3.cloned.1.call-start
scs
__scs_entry_jumppad:
0x0: {  	(pc) =	sbr.rel $0x88, $3  }
0x1: {  	(tag) =	ssettag $0x0;
	lr =	simm.s32 $0x1  }
0x2: {  	[smem:$0x3FA0] =	sst lr;
	_ =	strace $0xD0000000  }
0x3: {  	_ = 	snop  }
0x4: {  	_ = 	snop  }
0x5: {  	_ = 	snop  }
0x6: {  	_ = 	snop  }
0x7: {  	_ = 	snop  }
__scs_overlays_trampoline_lowered:
0x8: {  	[smem:$0x3FAF] =	sst s0  }
0x9: {  	[smem:$0x3FB0] =	sst s1  }
0xa: {  	[smem:$0x3FB1] =	sst s2  }
0xb: {  	[smem:$0x3FB2] =	sst s3  }
0xc: {  	[smem:$0x3FB3] =	sst s4  }
0xd: {  	[smem:$0x3FB4] =	sst s5  }
0xe: {  	[smem:$0x3FB5] =	sst s6  }
0xf: {  	[smem:$0x3FB6] =	sst s7  }
0x10: {  	[smem:$0x3FB7] =	sst s8  }
0x11: {  	[smem:$0x3FB8] =	sst s9;
	s0 =	simm.s32 @!p0 $0x0  }
0x12: {  	s1 =	sld [smem:$0x3F9E];
	s0 =	simm.s32 @p0 $0x1  }
0x13: {  	[smem:$0x3FB9] =	sst s0;
	s0 =	simm.s32 @!p1 $0x0  }
0x14: {  	s2 =	sld [smem:$0x3F9D];
	s0 =	simm.s32 @p1 $0x1  }
0x15: {  	[smem:$0x3FBA] =	sst s0;
	s0 =	simm.s32 @!p2 $0x0  }
0x16: {  	s3 =	sld [smem:$0x3FDB];
	s0 =	simm.s32 @p2 $0x1  }
0x17: {  	s4 =	simm.s32 $0x1BF5;
	[smem:$0x3FBC] =	sst s0  }
0x18: {  	s0 =	sld [smem:$0x3F9F];
	_ =	swait.ge [sflag:s4], $0x0  }
0x19: {  	s7 =	sld [smem:$0x3FA0]  }
0x1a: {  	s8 =	sadd.s32 $0xFFFFE003, lr  }
0x1b: {  	s9 =	sadd.s32 $0xFFFFFEF7, lr;
	s5 =	simm.s32 $0xFFFFFFFF;
	p2 =	slt.u32 s8, $0xFFFFF086  }
0x1c: {  	p1 =	slt.u32 s9, $0xF7A;
	s5 =	simm.s32 @!p2 $0x0  }
0x1d: {  	s5 =	simm.s32 @p1 $0x1;
	p0 =	seq.s32 s7, s2  }
0x1e: {  	s7 =	smul.u32 @!p0 $0xF7A, s2;
	p2 =	seq.s32 @!p0 s5, $0x0  }
0x1f: {  	s9 =	smul.u32 $0xF7A, s1;
	s8 =	simm.s32 @!p0 $0x1BF5;
	p2 =	por !p2, p0  }
0x20: {  	[sflag:s8] =	ssyncset.s32 @!p0 $0xFFFFF086;
	s6 =	sadd.s32 @!p0 s3, s7;
	s7 =	simm.s32 @!p0 $0x108  }
0x21: {  	s3 =	sadd.s32 s3, s9;
	s6 =	sadd.s32 @!p0 $0x88, s6;
	s7 =	simm.s32 @p2 $0x1082  }
0x22: {  	[simem:s7], [sflag:s8] =	dma.local @!p0 [hbm:s6], $0xF7A  }
0x23: {  	s9 =	sor.u32 $0xD0000000, s2;
	s6 =	simm.s32 $0x108;
	_ =	swait.ge @!p0 [sflag:s8], $0x0  }
0x24: {  	s3 =	sadd.s32 $0x88, s3;
	s6 =	simm.s32 @!p1 $0x1082;
	[sflag:s4] =	ssyncset.s32 $0xFFFFF086  }
0x25: {  	[simem:s6], [sflag:s4] =	dma.local [hbm:s3], $0xF7A  }
0x26: {  	[smem:$0x3FA0] =	sst s1;
	(tag) =	ssettag s2;
	_ =	strace s9  }
0x27: {  	s1 =	sld [smem:$0x3FB0]  }
0x28: {  	s2 =	sld [smem:$0x3FB1]  }
0x29: {  	s4 =	sld [smem:$0x3FB3]  }
0x2a: {  	p0 =	seq.s32 s5, $0x0;
	s5 =	sld [smem:$0x3FB4]  }
0x2b: {  	s6 =	sld [smem:$0x3FB5]  }
0x2c: {  	s7 =	sld [smem:$0x3FB6]  }
0x2d: {  	s3 =	simm.s32 $0x108;
	s8 =	sld [smem:$0x3FB7]  }
0x2e: {  	s3 =	simm.s32 @!p0 $0x1082;
	s9 =	sld [smem:$0x3FB8]  }
0x2f: {  	lr =	sadd.s32 s0, s3;
	s0 =	sld [smem:$0x3FAF]  }
0x30: {  	s3 =	sld [smem:$0x3FB2]  }
0x31: {  	[smem:$0x3FBB] =	sst s10  }
0x32: {  	s10 =	sld [smem:$0x3FB9];
	_ =	sdelay $0x3  }
0x33: {  	p0 =	seq.s32 s10, $0x1;
	s10 =	sld [smem:$0x3FBB];
	_ =	sdelay $0x3  }
0x34: {  	[smem:$0x3FBB] =	sst s10  }
0x35: {  	s10 =	sld [smem:$0x3FBA];
	_ =	sdelay $0x3  }
0x36: {  	p1 =	seq.s32 s10, $0x1;
	s10 =	sld [smem:$0x3FBB];
	_ =	sdelay $0x3  }
0x37: {  	[smem:$0x3FBB] =	sst s10  }
0x38: {  	s10 =	sld [smem:$0x3FBC]  }
0x39: {  	_ = 	snop;
	(pc) =	sbr.ind lr, $3  }
0x3a: {  	_ = 	snop  }
0x3b: {  	_ = 	snop  }
0x3c: {  	p2 =	seq.s32 s10, $0x1;
	s10 =	sld [smem:$0x3FBB]  }
0x3d: {  	_ =	shalt  }
0x3e: {  	_ =	shalt  }
0x3f: {  	_ =	shalt  }
0x40: {  	_ =	shalt  }
0x41: {  	_ =	shalt  }
0x42: {  	_ =	shalt  }
0x43: {  	_ =	shalt  }
0x44: {  	_ =	shalt  }
0x45: {  	_ =	shalt  }
0x46: {  	_ =	shalt  }
0x47: {  	_ =	shalt  }
0x48: {  	_ =	shalt  }
0x49: {  	_ =	shalt  }
0x4a: {  	_ =	shalt  }
0x4b: {  	_ =	shalt  }
0x4c: {  	_ =	shalt  }
0x4d: {  	_ =	shalt  }
0x4e: {  	_ =	shalt  }
0x4f: {  	_ =	shalt  }
0x50: {  	_ =	shalt  }
0x51: {  	_ =	shalt  }
0x52: {  	_ =	shalt  }
0x53: {  	_ =	shalt  }
0x54: {  	_ =	shalt  }
0x55: {  	_ =	shalt  }
0x56: {  	_ =	shalt  }
0x57: {  	_ =	shalt  }
0x58: {  	_ =	shalt  }
0x59: {  	_ =	shalt  }
0x5a: {  	_ =	shalt  }
0x5b: {  	_ =	shalt  }
0x5c: {  	_ =	shalt  }
0x5d: {  	_ =	shalt  }
0x5e: {  	_ =	shalt  }
0x5f: {  	_ =	shalt  }
0x60: {  	_ =	shalt  }
0x61: {  	_ =	shalt  }
0x62: {  	_ =	shalt  }
0x63: {  	_ =	shalt  }
0x64: {  	_ =	shalt  }
0x65: {  	_ =	shalt  }
0x66: {  	_ =	shalt  }
0x67: {  	_ =	shalt  }
0x68: {  	_ =	shalt  }
0x69: {  	_ =	shalt  }
0x6a: {  	_ =	shalt  }
0x6b: {  	_ =	shalt  }
0x6c: {  	_ =	shalt  }
0x6d: {  	_ =	shalt  }
0x6e: {  	_ =	shalt  }
0x6f: {  	_ =	shalt  }
0x70: {  	_ =	shalt  }
0x71: {  	_ =	shalt  }
0x72: {  	_ =	shalt  }
0x73: {  	_ =	shalt  }
0x74: {  	_ =	shalt  }
0x75: {  	_ =	shalt  }
0x76: {  	_ =	shalt  }
0x77: {  	_ =	shalt  }
0x78: {  	_ =	shalt  }
0x79: {  	_ =	shalt  }
0x7a: {  	_ =	shalt  }
0x7b: {  	_ =	shalt  }
0x7c: {  	_ =	shalt  }
0x7d: {  	_ =	shalt  }
0x7e: {  	_ =	shalt  }
0x7f: {  	_ =	shalt  }
0x80: {  	_ =	shalt  }
0x81: {  	_ =	shalt  }
0x82: {  	_ =	shalt  }
0x83: {  	_ =	shalt  }
0x84: {  	_ =	shalt  }
0x85: {  	_ =	shalt  }
0x86: {  	_ =	shalt  }
0x87: {  	_ =	shalt  }
.Lfunc_end0:
.L_simem_size_0:
called_computation.1_lowered:
.L_overlay_start_0:
0x88: {  	s2 =	sld [smem:$0x3FD9]  }
0x89: {  	s3 =	sld [smem:$0x3FFE];
	_ =	sdelay $0x1  }
0x8a: {  	s1 =	srdreg.scid  }
0x8b: {  	s0 =	sand.u32 $0x1, s1  }
0x8c: {  	s17 =	sshll.u32 s0, $0xA;
	s2 =	sadd.s32 s3, s2  }
0x8d: {  	s2 =	sadd.s32 s2, s17  }
0x8e: {  	[smem:$0x3FC7] =	sst s2  }
0x8f: {  	_ = 	snop  }
0x90: {  	s2 =	sld [smem:$0x3FD0];
	(tm) =	ssettm $0x1  }
0x91: {  	s18 =	sld [smem:$0x3FFB];
	_ =	sdelay $0x3  }
0x92: {  	_ =	strace s18  }
0x93: {  	s3 =	sld [smem:$0x3FFC];
	_ =	sdelay $0x3  }
0x94: {  	_ =	strace s3  }
0x95: {  	s3 =	sld [smem:$0x3FFD];
	_ =	sdelay $0x3  }
0x96: {  	_ =	strace s3  }
0x97: {  	_ =	strace $0x8FFFFFFF  }
0x98: {  	s19 =	sld [smem:$0x3FDB];
	_ =	sdelay $0x1  }
0x99: {  	s4 =	simm.s32 $_scs_section_size  }
0x9a: {  	s5 =	simm.s32 $_size__tile_overlayer_lowered;
	s6 =	simm.s32 $_tile_overlayer_lowered  }
0x9b: {  	s22 =	simm.s32 $0x1BFF;
	s21 =	sshll.u32 s6, $0x1;
	s3 =	sadd.s32 s4, s19  }
0x9c: {  	s7 =	simm.s32 $0x0;
	s20 =	sshll.u32 s5, $0x1;
	s5 =	sadd.s32 s21, s3  }
0x9d: {  	[timem:s7], [sflag:s22] =	dma.local [hbm:s5], s20  }
0x9e: {  	_ =	swait.ge [sflag:s22], s20  }
0x9f: {  	s4 =	ssub.s32 $0x0, s20;
	[sflag:s22] =	ssyncset.done $0x0  }
0xa0: {  	[sflag:s22] =	ssyncadd.s32 s4;
	_ =	sdelay $0x1  }
0xa1: {  	s23 =	simm.s32 $0x1B8B  }
0xa2: {  	_ =	swait.ge [sflag:s23], $0x1  }
0xa3: {  	[sflag:s23] =	ssyncset.done $0x0  }
0xa4: {  	s25 =	simm.s32 $0x1B8E;
	s24 =	sld [smem:$0x3FFE];
	[sflag:s23] =	ssyncadd.s32 $0xFFFFFFFF  }
0xa5: {  	s26 =	simm.s32 $execute0_lowered;
	[smem:$0x3FD2] =	sst s25  }
0xa6: {  	s5 =	sshll.u32 s26, $0x1;
	_ =	strace $0x80000049;
	[dreg:$0x1] =	wrdreg $0xFFFFFFFF  }
0xa7: {  	s28 =	simm.s32 $_size_execute0_lowered;
	s3 =	sadd.s32 s3, s5;
	[dreg:$0x0] =	wrdreg $0x0  }
0xa8: {  	s5 =	sshll.u32 s28, $0x1;
	[dreg:$0x2] =	wrdreg s3  }
0xa9: {  	[dreg:$0x3] =	wrdreg s5  }
0xaa: {  	[dreg:$0x4] =	wrdreg $0xC0  }
0xab: {  	_ =	task [dreg:s7], $0x5FFFF  }
0xac: {  	[dreg:$0x1] =	wrdreg $0xFFFFFFFF  }
0xad: {  	[dreg:$0x0] =	wrdreg $0x60  }
0xae: {  	[dreg:$0x2] =	wrdreg s2  }
0xaf: {  	[dreg:$0x3] =	wrdreg s24  }
0xb0: {  	[dreg:$0x4] =	wrdreg $0x9  }
0xb1: {  	_ =	task.clear_ibuf [dreg:s7], $0x5FFFF;
	_ =	strace $0x90000049  }
0xb2: {  	s29 =	simm.s32 $0x9;
	_ =	strace $0x8000004B  }
0xb3: {  	_ =	swait.ge [sflag:s29], $0x1  }
0xb4: {  	[sflag:s29] =	ssyncadd.s32 $0xFFFFFFFF  }
0xb5: {  	_ =	strace $0x9000004B  }
0xb6: {  	_ =	sfence  }
0xb7: {  	s30 =	sld [smem:$0x0];
	_ =	sdelay $0x2  }
0xb8: {  	s31 =	sshll.u32 s1, $0xD;
	s1 =	sshrl.u32 s1, $0x2  }
0xb9: {  	s3 =	sand.u32 $0x4000, s31;
	s1 =	sadd.s32 s1, s30  }
0xba: {  	s0 =	sor.u32 s3, s0;
	s1 =	sshll.u32 s1, $0x11  }
0xbb: {  	s0 =	sor.u32 s1, s0  }
0xbc: {  	s0 =	sadd.s32 $0x8F2B, s0  }
0xbd: {  	[sflag:s0] =	ssyncadd.remote.s32 $0x1  }
0xbe: {  	_ =	sfence.sel $0xFFFF  }
0xbf: {  	[dreg:$0x0] =	wrdreg $0xFFFFFFFF;
	(pc) =	sbr.abs _section_cstart, $3  }
0xc0: {  	[dreg:$0x1] =	wrdreg $0xFFFFFFFF  }
0xc1: {  	_ =	task.clear_ibuf [dreg:s7], $0x2FFFF;
	_ =	strace $0x9FFFFFFF  }
0xc2: {  	(tm) =	ssettm $0x7FFFFFFF  }
0xc3: {  	_ =	shalt  }
tec
execute0_lowered:
.L_overlay_start_1:
0x0: {  	(tag) =	ssettag $0x1  }
0x1: {  	s2 =	rddreg [dreg:$0x0]  }
0x2: {  	s0 =	srdreg.scid;
	s3 =	stileid.u32  }
0x3: {  	s1 =	rddreg [dreg:$0x1];
	s15 =	simm.s32 $0x4080;
	s17 =	simm.s32 $0x1  }
0x4: {  	s18 =	simm.s32 $0x2;
	s19 =	simm.s32 $0xF080;
	s20 =	simm.s32 $0x14880  }
0x5: {  	s21 =	simm.s32 $0x1A080;
	s22 =	simm.s32 $0x1C080;
	s23 =	simm.s32 $0x3  }
0x6: {  	s24 =	simm.s32 $0x4;
	s25 =	simm.s32 $0x5;
	s26 =	simm.s32 $0x6  }
0x7: {  	s0 =	sand.u32 $0x1, s0;
	s4 =	sshll.u32 s3, $0x1;
	s3 =	simm.s32 $0x0  }
0x8: {  	s6 =	sadd.s32 $0xC00, s1;
	s10 =	sadd.s32 $0x18E00, s1;
	s7 =	sor.u32 s0, s4  }
0x9: {  	[smem:$0x7FF] =	sst s3;
	s0 =	ssub.s32 $0x2, s0;
	s4 =	sshll.u32 s7, $0xA  }
0xa: {  	_ =	strace $0x8000004A;
	[dreg:$0x4] =	wrdreg s6;
	s4 =	sadd.s32 s4, s1  }
0xb: {  	s5 =	sshrl.u32 s0, $0x1;
	[dreg:$0x3] =	wrdreg s7;
	s31 =	sadd.s32 $0x8E00, s4  }
0xc: {  	s0 =	ssub.s32 s0, s5;
	s4 =	sadd.s32 $0xE00, s4;
	[dreg:$0x5] =	wrdreg s31  }
0xd: {  	s6 =	sadd.s32 $0x10E00, s1;
	s0 =	smax.u32 s0, $0x1;
	[dreg:$0x6] =	wrdreg s4  }
0xe: {  	s7 =	sshll.u32 s7, $0xD;
	s1 =	simm.s32 $0x0;
	[dreg:$0x7] =	wrdreg s0  }
.LBB2_1:
0xf: {  	[dreg:$0x8] =	wrdreg s1  }
0x10: {  	s0 =	rddreg [dreg:$0x5];
	s5 =	simm.s32 $0x7  }
0x11: {  	[tilespmem:s3], [sflag:$0x7] =	stream.linear.gather [hbm4b:s0+s3], $0x2000, $0x38;
	[tilespmem:$0x1E080] =	vst v63  }
0x12: {  	_ =	swait.ge [sflag:s5], $0x2000  }
0x13: {  	[sflag:s5] =	ssyncset.done $0x0  }
0x14: {  	s4 =	simm.s32 $0x2000;
	s8 =	rddreg [dreg:$0x6];
	[sflag:s5] =	ssyncadd.s32 $0xFFFFE000  }
0x15: {  	[tilespmem:s4], [sflag:$0x7] =	stream.linear.gather [hbm4b:s8+s3], $0x2000, $0x38;
	[tilespmem:$0x1E080] =	vst v63  }
0x16: {  	_ =	swait.ge [sflag:s5], $0x2000  }
0x17: {  	[sflag:s5] =	ssyncset.done $0x0  }
0x18: {  	s11 =	simm.s32 $0x4000;
	s9 =	rddreg [dreg:$0x4];
	[sflag:s5] =	ssyncadd.s32 $0xFFFFE000  }
0x19: {  	[tilespmem:s11], [sflag:$0x7] =	stream.linear.gather [hbm4b:s9+s3], $0x80, $0x38;
	[tilespmem:$0x1E080] =	vst v63  }
0x1a: {  	_ =	swait.ge [sflag:s5], $0x80  }
0x1b: {  	[sflag:s5] =	ssyncset.done $0x0  }
0x1c: {  	s12 =	rddreg [dreg:$0x3];
	[sflag:s5] =	ssyncadd.s32 $0xFFFFFF80  }
0x1d: {  	v0 =	vld [tilespmem:s12+$0x4000];
	_ =	sdelay $0x4  }
0x1e: {  	(v2sf) =	vpush v0, $0x0;
	_ =	sdelay $0xe  }
0x1f: {  	s13 =	spop (v2sf)  }
0x20: {  	s14 =	sshrl.u32 s13, $0x3  }
0x21: {  	s16 =	sadd.s32 $0x40000, s13;
	s1 =	sadd.s32 s2, s14  }
0x22: {  	[tilespmem:s15], [sflag:$0x1] =	stream.linear.gather [hbm4b:s1+s3], $0x5800, $0x38;
	[tilespmem:$0x1E080] =	vst v63  }
0x23: {  	s28 =	simm.s32 $0x9880;
	s31 =	simm.s32 $0x0;
	s1 =	sshrl.u32 s16, $0x3  }
0x24: {  	s29 =	sadd.s32 $0x80000, s13;
	s30 =	sadd.s32 $0xC0000, s13;
	s1 =	sadd.s32 s2, s1  }
0x25: {  	[tilespmem:s28], [sflag:$0x2] =	stream.linear.gather [hbm4b:s1+s3], $0x5800, $0x38;
	[tilespmem:$0x1E080] =	vst v63  }
.LBB2_2:
0x26: {  	_ =	swait.ge [sflag:s17], $0x5800  }
0x27: {  	[sflag:s17] =	ssyncset.done $0x0  }
0x28: {  	s1 =	sshll.u32 s31, $0x14;
	[sflag:s17] =	ssyncadd.s32 $0xFFFFA800  }
0x29: {  	s0 =	sadd.s32 s1, s29;
	_ =	swait.ge [sflag:s18], $0x5800  }
0x2a: {  	s0 =	sshrl.u32 s0, $0x3;
	[sflag:s18] =	ssyncset.done $0x0  }
0x2b: {  	s13 =	sadd.s32 s1, s30;
	s0 =	sadd.s32 s2, s0;
	[sflag:s18] =	ssyncadd.s32 $0xFFFFA800  }
0x2c: {  	[tilespmem:s19], [sflag:$0x3] =	stream.linear.gather [hbm4b:s0+s3], $0x5800, $0x38;
	[tilespmem:$0x1E080] =	vst v63  }
0x2d: {  	s0 =	sshrl.u32 s13, $0x3  }
0x2e: {  	p0 =	seq.s32 s31, $0x0;
	s0 =	sadd.s32 s2, s0  }
0x2f: {  	[tilespmem:s20], [sflag:$0x4] =	stream.linear.gather [hbm4b:s0+s3], $0x5800, $0x38;
	[tilespmem:$0x1E080] =	vst v63  }
0x30: {  	s0 =	simm.s32 @!p0 $0x5  }
0x31: {  	_ =	swait.ge @!p0 [sflag:s0], $0x2000  }
0x32: {  	[sflag:s0] =	ssyncset.done @!p0 $0x0  }
0x33: {  	[sflag:s0] =	ssyncadd.s32 @!p0 $0xFFFFE000;
	s0 =	simm.s32 @!p0 $0x6  }
0x34: {  	_ =	swait.ge @!p0 [sflag:s0], $0x2000  }
0x35: {  	[sflag:s0] =	ssyncset.done @!p0 $0x0  }
0x36: {  	s14 =	simm.s32 $0x20;
	[sflag:s0] =	ssyncadd.s32 @!p0 $0xFFFFE000  }
0x37: {  	v0 =	vld [tilespmem:s14+$0x10]  }
0x38: {  	v1 =	vld [tilespmem:s14+$0x0]  }
0x39: {  	v8 =	vld [tilespmem:s14+$0xFFFFFFF0]  }
0x3a: {  	s4 =	simm.s32 $0x2020;
	v5 =	vld [tilespmem:s14+$0xFFFFFFE0]  }
0x3b: {  	v2 =	vld [tilespmem:s4+$0x0]  }
0x3c: {  	v3 =	vld [tilespmem:s4+$0xFFFFFFE0]  }
0x3d: {  	v10 =	vld [tilespmem:s4+$0xFFFFFFF0]  }
0x3e: {  	v11 =	vld [tilespmem:s4+$0x10];
	v4 =	vadd.s32 $0x201, v0  }
0x3f: {  	v6 =	vadd.s32 $0x200, v0;
	v9 =	vld.idx.msk [tilespmem:v0+s15+$0x0], $0xffff  }
0x40: {  	v7 =	vadd.s32 $0x1, v1;
	v20 =	vld.idx.msk [tilespmem:v1+s15+$0x0], $0xffff  }
0x41: {  	v12 =	vadd.s32 $0x200, v5;
	v21 =	vld.idx.msk [tilespmem:v8+s15+$0x0], $0xffff  }
0x42: {  	v14 =	vadd.s32 $0x200, v8;
	v23 =	vld.idx.msk [tilespmem:v5+s15+$0x0], $0xffff  }
0x43: {  	v16 =	vadd.s32 $0x1, v5;
	v4 =	vld.idx.msk [tilespmem:v4+s15+$0x0], $0xffff  }
0x44: {  	v13 =	vadd.s32 $0x1, v0;
	v17 =	vadd.s32 $0x200, v1;
	v6 =	vld.idx.msk [tilespmem:v6+s15+$0x0], $0xffff  }
0x45: {  	v15 =	vand.u32 $0xFFFF, v2;
	v2 =	vshrl.u32 v2, $0x10;
	v22 =	vadd.s32 $0x201, v8;
	v7 =	vld.idx.msk [tilespmem:v7+s15+$0x0], $0xffff  }
0x46: {  	v18 =	vadd.s32 $0x201, v1;
	v19 =	vshrl.u32 v11, $0x10;
	v15 =	vcvt.s32.f32 v15;
	v12 =	vld.idx.msk [tilespmem:v12+s15+$0x0], $0xffff  }
0x47: {  	v11 =	vand.u32 $0xFFFF, v11;
	v24 =	vand.u32 $0xFFFF, v10;
	v27 =	vadd.s32 $0x201, v5;
	v26 =	vld.idx.msk [tilespmem:v14+s15+$0x0], $0xffff  }
0x48: {  	v25 =	vand.u32 $0xFFFF, v3;
	v32 =	vmul.f32 $1.525902190e-05, v15;
	v15 =	vadd.s32 $0x1, v8;
	v28 =	vld.idx.msk [tilespmem:v16+s15+$0x0], $0xffff  }
0x49: {  	v14 =	vcvt.s32.f32 v2;
	v2 =	vshrl.u32 v3, $0x10;
	v3 =	vshrl.u32 v10, $0x10;
	v10 =	vld.idx.msk [tilespmem:v17+s15+$0x0], $0xffff  }
0x4a: {  	v34 =	vadd.s32 $0x5A01, v0;
	v35 =	vadd.s32 $0x5801, v0;
	v22 =	vld.idx.msk [tilespmem:v22+s15+$0x0], $0xffff;
	v16 =	vcvt.s32.f32 v2  }
0x4b: {  	v36 =	vadd.s32 $0x5A00, v5;
	v42 =	vadd.s32 $0x5800, v8;
	v11 =	vcvt.s32.f32 v11;
	v31 =	vld.idx.msk [tilespmem:v18+s15+$0x0], $0xffff  }
0x4c: {  	v46 =	vadd.s32 $0x5801, v8;
	v19 =	vcvt.s32.f32 v19;
	v27 =	vld.idx.msk [tilespmem:v27+s15+$0x0], $0xffff;
	v30 =	vmul.f32 $1.525902190e-05, v16  }
0x4d: {  	v24 =	vcvt.s32.f32 v24;
	v25 =	vcvt.s32.f32 v25;
	v17 =	vadd.s32 $0x5800, v1;
	v33 =	vld.idx.msk [tilespmem:v15+s15+$0x0], $0xffff;
	[tilespmem:$0x1FFE0] =	vst v32  }
0x4e: {  	v2 =	vmul.f32 $1.525902190e-05, v11;
	v11 =	vcvt.s32.f32 v3;
	v4 =	vsub.f32 v4, v6;
	[tilespmem:$0x1FFF0] =	vst v30  }
0x4f: {  	v3 =	vmul.f32 $1.525902190e-05, v14;
	v14 =	vadd.s32 $0x5801, v1;
	v7 =	vsub.f32 v7, v20;
	v13 =	vld.idx.msk [tilespmem:v13+s15+$0x0], $0xffff  }
0x50: {  	v15 =	vadd.s32 $0x5A01, v1;
	v29 =	vmul.f32 $1.525902190e-05, v11;
	v16 =	vmul.f32 $1.525902190e-05, v25  }
0x51: {  	s16 =	simm.s32 $0x60;
	v22 =	vsub.f32 v22, v26;
	v18 =	vmul.f32 v4, v2;
	v11 =	vmul.f32 v7, v32  }
0x52: {  	v7 =	vmul.f32 $1.525902190e-05, v19;
	v4 =	vmovc v32;
	v32 =	vmul.f32 $1.525902190e-05, v24;
	v24 =	vsub.f32 v28, v23;
	v28 =	vld [tilespmem:s16+$0x0]  }
0x53: {  	v19 =	vld [tilespmem:s16+$0x10];
	v6 =	vadd.f32 v18, v6;
	v18 =	vadd.s32 $0x5A00, v1;
	v1 =	vsub.f32 v31, v10  }
0x54: {  	s28 =	simm.s32 $0x2060;
	v25 =	vsub.f32 v33, v21;
	v31 =	vadd.s32 $0x5800, v0;
	v13 =	vsub.f32 v13, v9  }
0x55: {  	v38 =	vld [tilespmem:s28+$0xFFFFFFF0];
	v11 =	vadd.f32 v11, v20;
	v1 =	vmul.f32 v1, v4;
	v22 =	vmul.f32 v22, v32  }
0x56: {  	v40 =	vld [tilespmem:s28+$0x10];
	v20 =	vsub.f32 v27, v12;
	v24 =	vmul.f32 v24, v16;
	v13 =	vmul.f32 v13, v2  }
0x57: {  	v1 =	vadd.f32 v1, v10;
	v10 =	vadd.f32 v22, v26;
	v26 =	vld [tilespmem:s28+$0x0];
	v39 =	vadd.s32 $0x1, v28  }
0x58: {  	v33 =	vld [tilespmem:s16+$0xFFFFFFF0];
	v20 =	vmul.f32 v20, v16;
	v9 =	vadd.f32 v13, v9;
	v13 =	vadd.s32 $0x201, v19  }
0x59: {  	v27 =	vld [tilespmem:s16+$0xFFFFFFE0];
	v37 =	vadd.s32 $0x200, v19;
	v22 =	vmul.f32 v25, v32;
	v23 =	vadd.f32 v24, v23  }
0x5a: {  	v0 =	vadd.s32 $0x5A00, v0;
	v12 =	vadd.f32 v20, v12;
	v20 =	vld [tilespmem:s28+$0xFFFFFFE0];
	v6 =	vsub.f32 v6, v9  }
0x5b: {  	v25 =	vadd.s32 $0x5A00, v8;
	v24 =	vld.idx.msk [tilespmem:v19+s15+$0x0], $0xffff;
	v21 =	vadd.f32 v22, v21;
	v22 =	vadd.s32 $0x5A01, v8  }
0x5c: {  	v8 =	vand.u32 $0xFFFF, v26;
	v4 =	vshrl.u32 v26, $0x10;
	v6 =	vmul.f32 v6, v7;
	v26 =	vld.idx.msk [tilespmem:v39+s15+$0x0], $0xffff  }
0x5d: {  	v41 =	vadd.s32 $0x5800, v5;
	v44 =	vadd.s32 $0x5A01, v5;
	v45 =	vadd.s32 $0x5801, v5;
	v5 =	vld.idx.msk [tilespmem:v13+s15+$0x0], $0xffff  }
0x5e: {  	v13 =	vld.idx.msk [tilespmem:v37+s15+$0x0], $0xffff;
	[tilespmem:$0x1FFC0] =	vst v29;
	v6 =	vadd.f32 v6, v9  }
0x5f: {  	s0 =	simm.s32 $0x1A080;
	v1 =	vsub.f32 v1, v11;
	v39 =	vld.idx.msk [tilespmem:v28+s15+$0x0], $0xffff  }
0x60: {  	v43 =	vadd.s32 $0x1, v19;
	v62 =	vadd.s32 $0x200, v33;
	v12 =	vsub.f32 v12, v23;
	v50 =	vld.idx.msk [tilespmem:v33+s15+$0x0], $0xffff;
	[tilespmem:s0+$0x30] =	vst v6  }
0x61: {  	v61 =	vadd.s32 $0x200, v28;
	v10 =	vsub.f32 v10, v21;
	v1 =	vmul.f32 v1, v3;
	v47 =	vld.idx.msk [tilespmem:v0+s15+$0x0], $0xffff  }
0x62: {  	v49 =	vadd.s32 $0x201, v33;
	v63 =	vadd.s32 $0x201, v27;
	v12 =	vmul.f32 v12, v30;
	v31 =	vld.idx.msk [tilespmem:v31+s15+$0x0], $0xffff  }
0x63: {  	v51 =	vadd.s32 $0x1, v27;
	v10 =	vmul.f32 v10, v29;
	v48 =	vadd.f32 v1, v11;
	v11 =	vld.idx.msk [tilespmem:v35+s15+$0x0], $0xffff  }
0x64: {  	v8 =	vcvt.s32.f32 v8;
	v12 =	vadd.f32 v12, v23;
	v23 =	vshrl.u32 v40, $0x10;
	v34 =	vld.idx.msk [tilespmem:v34+s15+$0x0], $0xffff  }
0x65: {  	v53 =	vcvt.s32.f32 v23;
	v21 =	vadd.f32 v10, v21;
	v10 =	vadd.s32 $0x200, v27;
	v55 =	vld.idx.msk [tilespmem:v27+s15+$0x0], $0xffff  }
0x66: {  	v1 =	vmul.f32 $1.525902190e-05, v8;
	[tilespmem:s0+$0x0] =	vst v12;
	v12 =	vand.u32 $0xFFFF, v20;
	v37 =	vld.idx.msk [tilespmem:v61+s15+$0x0], $0xffff;
	v6 =	vadd.s32 $0x201, v28  }
0x67: {  	v9 =	vmovc v3;
	v3 =	vshrl.u32 v20, $0x10;
	v49 =	vld.idx.msk [tilespmem:v49+s15+$0x0], $0xffff;
	v56 =	vcvt.s32.f32 v12;
	v0 =	vand.u32 $0xFFFF, v40  }
0x68: {  	v8 =	vadd.s32 $0x1, v33;
	v29 =	vld.idx.msk [tilespmem:v41+s15+$0x0], $0xffff;
	v41 =	vcvt.s32.f32 v3;
	v52 =	vcvt.s32.f32 v0  }
0x69: {  	v35 =	vld.idx.msk [tilespmem:v62+s15+$0x0], $0xffff;
	v0 =	vand.u32 $0xFFFF, v38;
	v11 =	vsub.f32 v11, v31;
	v3 =	vsub.f32 v34, v47  }
0x6a: {  	v54 =	vcvt.s32.f32 v0;
	v0 =	vcvt.s32.f32 v4;
	v20 =	vld.idx.msk [tilespmem:v10+s15+$0x0], $0xffff;
	v10 =	vshrl.u32 v38, $0x10  }
0x6b: {  	v60 =	vld.idx.msk [tilespmem:v6+s15+$0x0], $0xffff;
	v23 =	vmul.f32 v11, v2;
	v2 =	vmul.f32 v3, v2;
	v3 =	vadd.s32 $0x5A01, v28  }
0x6c: {  	v5 =	vsub.f32 v5, v13;
	v57 =	vcvt.s32.f32 v10;
	v12 =	vmul.f32 $1.525902190e-05, v52;
	v34 =	vld.idx.msk [tilespmem:v51+s15+$0x0], $0xffff;
	[tilespmem:$0x1FFD0] =	vst v3  }
0x6d: {  	v0 =	vmul.f32 $1.525902190e-05, v0;
	v6 =	vsub.f32 v26, v39;
	v61 =	vld.idx.msk [tilespmem:v8+s15+$0x0], $0xffff  }
0x6e: {  	v10 =	vadd.s32 $0x5801, v28;
	v26 =	vmul.f32 v5, v12;
	v5 =	vmul.f32 $1.525902190e-05, v57;
	v40 =	vld.idx.msk [tilespmem:v63+s15+$0x0], $0xffff  }
0x6f: {  	v62 =	vmul.f32 v6, v1;
	v6 =	vmul.f32 $1.525902190e-05, v56;
	v56 =	vadd.s32 $0x5800, v19;
	v43 =	vld.idx.msk [tilespmem:v43+s15+$0x0], $0xffff  }
0x70: {  	s4 =	simm.s32 $0x20A0;
	v11 =	vadd.s32 $0x5800, v28;
	v31 =	vadd.f32 v23, v31;
	v47 =	vadd.f32 v2, v47;
	v45 =	vld.idx.msk [tilespmem:v45+s15+$0x0], $0xffff;
	[tilespmem:s0+$0x10] =	vst v21  }
0x71: {  	v38 =	vadd.f32 v26, v13;
	v13 =	vadd.s32 $0x5A00, v28;
	[tilespmem:s0+$0x20] =	vst v48;
	v48 =	vadd.f32 v62, v39;
	v39 =	vld [tilespmem:s4+$0x0]  }
0x72: {  	v26 =	vadd.s32 $0x5801, v19;
	v21 =	vsub.f32 v60, v37;
	v46 =	vld.idx.msk [tilespmem:v46+s15+$0x0], $0xffff;
	v28 =	vsub.f32 v47, v31  }
0x73: {  	v2 =	vmul.f32 $1.525902190e-05, v41;
	v8 =	vmul.f32 $1.525902190e-05, v53;
	v63 =	vsub.f32 v49, v35;
	v49 =	vld.idx.msk [tilespmem:v17+s15+$0x0], $0xffff  }
0x74: {  	v23 =	vadd.s32 $0x5A01, v19;
	v42 =	vld.idx.msk [tilespmem:v42+s15+$0x0], $0xffff;
	v21 =	vmul.f32 v21, v1;
	v28 =	vmul.f32 v28, v7  }
0x75: {  	v60 =	vld.idx.msk [tilespmem:v14+s15+$0x0], $0xffff;
	v7 =	vmul.f32 $1.525902190e-05, v54;
	v54 =	vadd.s32 $0x5A00, v19;
	v19 =	vsub.f32 v34, v55  }
0x76: {  	v34 =	vld.idx.msk [tilespmem:v44+s15+$0x0], $0xffff;
	v57 =	vsub.f32 v40, v20;
	v58 =	vsub.f32 v61, v50;
	v44 =	vand.u32 $0xFFFF, v39  }
0x77: {  	v39 =	vshrl.u32 v39, $0x10;
	v17 =	vmul.f32 v19, v6;
	v19 =	vadd.f32 v21, v37  }
0x78: {  	v36 =	vld.idx.msk [tilespmem:v36+s15+$0x0], $0xffff;
	v59 =	vmul.f32 v63, v7;
	v21 =	vsub.f32 v43, v24;
	v63 =	vsub.f32 v45, v29  }
0x79: {  	s11 =	simm.s32 $0xA0;
	v30 =	vld [tilespmem:s4+$0x10];
	v45 =	vadd.f32 v28, v31;
	v31 =	vadd.s32 $0x5800, v27;
	v46 =	vsub.f32 v46, v42  }
0x7a: {  	v60 =	vsub.f32 v60, v49;
	v14 =	vmul.f32 v57, v6;
	v43 =	vadd.f32 v17, v55;
	v17 =	vld [tilespmem:s11+$0x10]  }
0x7b: {  	v52 =	vld.idx.msk [tilespmem:v18+s15+$0x0], $0xffff;
	v61 =	vmul.f32 v58, v7;
	v35 =	vadd.f32 v59, v35;
	v62 =	vmul.f32 v21, v12  }
0x7c: {  	v58 =	vld.idx.msk [tilespmem:v25+s15+$0x0], $0xffff;
	v25 =	vadd.s32 $0x5801, v33;
	v51 =	vsub.f32 v19, v48;
	v20 =	vadd.f32 v14, v20  }
0x7d: {  	v40 =	vld.idx.msk [tilespmem:v22+s15+$0x0], $0xffff;
	v21 =	vadd.s32 $0x5A00, v27;
	v18 =	vsub.f32 v34, v36;
	v57 =	vadd.f32 v62, v24  }
0x7e: {  	v55 =	vadd.f32 v61, v50;
	v34 =	vld.idx.msk [tilespmem:v15+s15+$0x0], $0xffff;
	v50 =	vmul.f32 v63, v16;
	v47 =	vsub.f32 v20, v43  }
0x7f: {  	v20 =	vld [tilespmem:s11+$0x0];
	v16 =	vmul.f32 v18, v16;
	v18 =	vsub.f32 v38, v57;
	v61 =	vadd.s32 $0x201, v17  }
0x80: {  	v19 =	vadd.s32 $0x5800, v33;
	v46 =	vmul.f32 v46, v32;
	v53 =	vsub.f32 v35, v55;
	v35 =	vld [tilespmem:s4+$0xFFFFFFE0]  }
0x81: {  	v14 =	vadd.s32 $0x5A01, v33;
	v38 =	vld [tilespmem:s4+$0xFFFFFFF0];
	v47 =	vmul.f32 v47, v2;
	v41 =	vmul.f32 v18, v8  }
0x82: {  	v4 =	vmovc v2;
	v50 =	vadd.f32 v50, v29;
	v29 =	vmul.f32 v51, v0;
	v62 =	vadd.f32 v16, v36;
	v2 =	vld [tilespmem:$0x1FFE0]  }
0x83: {  	v59 =	vadd.s32 $0x200, v17;
	v16 =	vld [tilespmem:s11+$0xFFFFFFF0];
	v47 =	vadd.f32 v47, v43;
	v43 =	vadd.f32 v41, v57  }
0x84: {  	s9 =	simm.s32 $0x1A0C0;
	v63 =	vcvt.s32.f32 v44;
	v44 =	vsub.f32 v40, v58;
	[tilespmem:s0+$0x2030] =	vst v45;
	v40 =	vld.idx.msk [tilespmem:v61+s15+$0x0], $0xffff;
	v61 =	vadd.f32 v29, v48  }
0x85: {  	v15 =	vadd.s32 $0x5A00, v33;
	v24 =	vadd.s32 $0x5A01, v27;
	v34 =	vsub.f32 v34, v52;
	v18 =	vld [tilespmem:s11+$0xFFFFFFE0];
	[tilespmem:s9+$0x30] =	vst v43  }
0x86: {  	v27 =	vadd.s32 $0x5801, v27;
	v28 =	vadd.s32 $0x1, v17;
	v44 =	vmul.f32 v44, v32;
	v22 =	vld.idx.msk [tilespmem:v17+s15+$0x0], $0xffff;
	[tilespmem:s9+$0x20] =	vst v61  }
0x87: {  	v36 =	vadd.s32 $0x1, v20;
	v51 =	vmul.f32 v60, v2;
	v60 =	vmul.f32 v34, v2;
	v2 =	vld [tilespmem:$0x1FFF0]  }
0x88: {  	v32 =	vmul.f32 v53, v5;
	v53 =	vand.u32 $0xFFFF, v30;
	v37 =	vadd.s32 $0x200, v20;
	v34 =	vld.idx.msk [tilespmem:v59+s15+$0x0], $0xffff  }
0x89: {  	v33 =	vadd.s32 $0x201, v20;
	v48 =	vadd.f32 v46, v42;
	v45 =	vadd.s32 $0x1, v16;
	v29 =	vld.idx.msk [tilespmem:v20+s15+$0x0], $0xffff  }
0x8a: {  	v43 =	vld.idx.msk [tilespmem:v54+s15+$0x0], $0xffff;
	v49 =	vadd.f32 v51, v49;
	v51 =	vshrl.u32 v30, $0x10;
	v30 =	vsub.f32 v62, v50  }
0x8b: {  	s8 =	simm.s32 $0x0;
	s5 =	simm.s32 $0x40;
	s12 =	simm.s32 $0x80;
	v54 =	vadd.f32 v44, v58;
	v44 =	vld.idx.msk [tilespmem:v56+s15+$0x0], $0xffff;
	v46 =	vadd.f32 v60, v52;
	v52 =	vadd.s32 $0x200, v16  }
0x8c: {  	s13 =	sshll.u32 s31, $0x1;
	s14 =	simm.s32 $0x1A0C0;
	s16 =	simm.s32 $0x80;
	v41 =	vld.idx.msk [tilespmem:v36+s15+$0x0], $0xffff;
	v36 =	vadd.f32 v32, v55;
	v32 =	vmul.f32 $1.525902190e-05, v63;
	v55 =	vmul.f32 v30, v2  }
.LBB2_3:
0x8d: {  	v26 =	vld.idx.msk [tilespmem:v26+s15+$0x0], $0xffff  }
0x8e: {  	v58 =	vadd.s32 $0x201, v16;
	v2 =	vld [tilespmem:$0x1FFC0]  }
0x8f: {  	v53 =	vcvt.s32.f32 v53;
	v23 =	vld.idx.msk [tilespmem:v23+s15+$0x0], $0xffff;
	v57 =	vsub.f32 v46, v49;
	v50 =	vadd.f32 v55, v50  }
0x90: {  	v51 =	vcvt.s32.f32 v51;
	v28 =	vld.idx.msk [tilespmem:v28+s15+$0x0], $0xffff;
	v54 =	vsub.f32 v54, v48;
	v40 =	vsub.f32 v40, v34  }
0x91: {  	s28 =	sand.u32 $0x1FC0, s8;
	v46 =	vld.idx.msk [tilespmem:v16+s15+$0x0], $0xffff;
	[tilespmem:s14+$0x0] =	vst v47;
	v59 =	vmul.f32 v57, v9;
	v57 =	vadd.s32 $0x5A01, v20;
	v42 =	vadd.s32 $0x200, v18  }
0x92: {  	v30 =	vmovc v32;
	v32 =	vld.idx.msk [tilespmem:v31+s15+$0x0], $0xffff;
	v9 =	vmovc v0;
	[tilespmem:s28+$0x1C080] =	vst v50;
	v56 =	vadd.s32 $0x201, v18;
	v63 =	vadd.s32 $0x1, v18;
	v0 =	vand.u32 $0xFFFF, v38  }
0x93: {  	v50 =	vld.idx.msk [tilespmem:v18+s15+$0x0], $0xffff;
	v60 =	vshrl.u32 v35, $0x10;
	v61 =	vshrl.u32 v38, $0x10;
	v31 =	vmul.f32 v54, v2  }
0x94: {  	v27 =	vld.idx.msk [tilespmem:v27+s15+$0x0], $0xffff;
	v2 =	vmovc v5;
	v5 =	vand.u32 $0xFFFF, v35;
	v54 =	vcvt.s32.f32 v0;
	v0 =	vadd.f32 v59, v49  }
0x95: {  	v41 =	vsub.f32 v41, v29;
	v24 =	vld.idx.msk [tilespmem:v24+s15+$0x0], $0xffff;
	v47 =	vcvt.s32.f32 v5;
	v5 =	vcvt.s32.f32 v39  }
0x96: {  	v26 =	vsub.f32 v26, v44;
	v35 =	vcvt.s32.f32 v60;
	v38 =	vcvt.s32.f32 v61;
	v39 =	vld.idx.msk [tilespmem:v52+s15+$0x0], $0xffff;
	[tilespmem:s0+$0x2020] =	vst v0  }
0x97: {  	v60 =	vmul.f32 $1.525902190e-05, v51;
	v31 =	vadd.f32 v31, v48;
	v0 =	vmul.f32 $1.525902190e-05, v5;
	v33 =	vld.idx.msk [tilespmem:v33+s15+$0x0], $0xffff  }
0x98: {  	v23 =	vsub.f32 v23, v43;
	v5 =	vmul.f32 v26, v12;
	v26 =	vmul.f32 $1.525902190e-05, v53;
	v49 =	vld.idx.msk [tilespmem:v42+s15+$0x0], $0xffff  }
0x99: {  	v52 =	vadd.s32 $0x5800, v20;
	v53 =	vadd.s32 $0x5801, v20;
	v62 =	vld.idx.msk [tilespmem:v63+s15+$0x0], $0xffff;
	[tilespmem:s0+$0x2010] =	vst v31;
	v42 =	vmul.f32 $1.525902190e-05, v35  }
0x9a: {  	v31 =	vld.idx.msk [tilespmem:v37+s15+$0x0], $0xffff;
	v55 =	vadd.f32 v5, v44;
	v5 =	vmul.f32 v23, v12;
	v40 =	vmul.f32 v40, v26  }
0x9b: {  	v27 =	vsub.f32 v27, v32;
	v63 =	vld.idx.msk [tilespmem:v58+s15+$0x0], $0xffff;
	v23 =	vadd.s32 $0x5A01, v17;
	v58 =	vmul.f32 v41, v30  }
0x9c: {  	v56 =	vld.idx.msk [tilespmem:v56+s15+$0x0], $0xffff;
	v12 =	vmovc v26;
	v44 =	vadd.s32 $0x5800, v17;
	v26 =	vadd.f32 v5, v43;
	v34 =	vadd.f32 v40, v34  }
0x9d: {  	v45 =	vld.idx.msk [tilespmem:v45+s15+$0x0], $0xffff;
	v40 =	vmul.f32 $1.525902190e-05, v47;
	v43 =	vmul.f32 $1.525902190e-05, v54;
	v54 =	vadd.s32 $0x5A00, v17  }
0x9e: {  	v41 =	vld.idx.msk [tilespmem:v11+s15+$0x0], $0xffff;
	v59 =	vsub.f32 v26, v55;
	v26 =	vadd.s32 $0x5801, v17;
	v17 =	vsub.f32 v62, v50  }
0x9f: {  	v20 =	vadd.s32 $0x5A00, v20;
	v11 =	vmovc v52;
	v52 =	vmul.f32 v27, v6;
	v5 =	vmul.f32 $1.525902190e-05, v38;
	v38 =	vld.idx.msk [tilespmem:v21+s15+$0x0], $0xffff  }
0xa0: {  	[tilespmem:$0x1FFC0] =	vst v2;
	v29 =	vadd.f32 v58, v29;
	v33 =	vsub.f32 v33, v31;
	v2 =	vmul.f32 v17, v40  }
0xa1: {  	s0 =	smov.u32 s14;
	v27 =	vadd.s32 $0x5801, v18;
	v61 =	vsub.f32 v56, v49;
	v56 =	vld.idx.msk [tilespmem:v13+s15+$0x0], $0xffff;
	v37 =	vsub.f32 v63, v39  }
0xa2: {  	s11 =	sadd.s32 $0x40, s11;
	[tilespmem:s0+$0x10] =	vst v36;
	v62 =	vsub.f32 v45, v46;
	v36 =	vmul.f32 v59, v8;
	v47 =	vadd.f32 v2, v50;
	v2 =	vld [tilespmem:$0x1FFD0]  }
0xa3: {  	v13 =	vmovc v20;
	v20 =	vld [tilespmem:s11+$0x0];
	v21 =	vmul.f32 v33, v30;
	v17 =	vsub.f32 v28, v22;
	v3 =	vmul.f32 v61, v40  }
0xa4: {  	v25 =	vld.idx.msk [tilespmem:v25+s15+$0x0], $0xffff;
	v37 =	vmul.f32 v37, v43;
	v28 =	vmul.f32 v62, v43;
	v24 =	vsub.f32 v24, v38  }
0xa5: {  	s4 =	sadd.s32 $0x40, s4;
	v48 =	vld.idx.msk [tilespmem:v19+s15+$0x0], $0xffff;
	v8 =	vmovc v60;
	v62 =	vadd.s32 $0x5A00, v16;
	v31 =	vadd.f32 v21, v31;
	v60 =	vmul.f32 v17, v12  }
0xa6: {  	v61 =	vld [tilespmem:s4+$0x0];
	v3 =	vadd.f32 v3, v49;
	v21 =	vadd.s32 $0x5A00, v18;
	v19 =	vadd.f32 v36, v55  }
0xa7: {  	v17 =	vld [tilespmem:s11+$0x10];
	v63 =	vadd.f32 v37, v39;
	v36 =	vadd.f32 v28, v46;
	v28 =	vadd.s32 $0x5A01, v16  }
0xa8: {  	v45 =	vld.idx.msk [tilespmem:v10+s15+$0x0], $0xffff;
	v37 =	vadd.s32 $0x200, v20;
	v33 =	vadd.s32 $0x201, v20;
	v49 =	vsub.f32 v3, v47  }
0xa9: {  	v10 =	vmovc v53;
	v53 =	vld.idx.msk [tilespmem:v14+s15+$0x0], $0xffff;
	v50 =	vsub.f32 v31, v29;
	[tilespmem:s0+$0x2030] =	vst v19;
	v31 =	vadd.s32 $0x5800, v18;
	v19 =	vadd.s32 $0x5800, v16  }
0xaa: {  	v55 =	vadd.f32 v60, v22;
	v51 =	vsub.f32 v63, v36;
	v63 =	vmul.f32 v24, v6;
	v46 =	vld.idx.msk [tilespmem:v2+s15+$0x0], $0xffff  }
0xab: {  	v6 =	vmovc v40;
	v24 =	vadd.s32 $0x5A01, v18;
	v40 =	vsub.f32 v25, v48;
	v25 =	vadd.s32 $0x5801, v16;
	v2 =	vmovc v57;
	v57 =	vld.idx.msk [tilespmem:v15+s15+$0x0], $0xffff  }
0xac: {  	v35 =	vld [tilespmem:s4+$0xFFFFFFE0];
	v18 =	vand.u32 $0xFFFF, v61;
	v16 =	vsub.f32 v34, v55;
	v59 =	vadd.s32 $0x201, v17  }
0xad: {  	v39 =	vshrl.u32 v61, $0x10;
	v61 =	vcvt.s32.f32 v18;
	v18 =	vld [tilespmem:s11+$0xFFFFFFE0];
	v58 =	vadd.s32 $0x200, v17  }
0xae: {  	v60 =	vadd.f32 v63, v38;
	v63 =	vmul.f32 v16, v8;
	v16 =	vld [tilespmem:s11+$0xFFFFFFF0];
	v15 =	vmovc v62;
	v62 =	vadd.s32 $0x1, v20  }
0xaf: {  	v14 =	vmovc v28;
	v45 =	vsub.f32 v45, v41;
	v28 =	vadd.s32 $0x1, v17;
	v3 =	vmul.f32 v40, v7;
	v22 =	vld.idx.msk [tilespmem:v17+s15+$0x0], $0xffff  }
0xb0: {  	[tilespmem:$0x1FFD0] =	vst v2;
	v2 =	vld [tilespmem:s4+$0x10];
	v34 =	vsub.f32 v46, v56;
	v46 =	vmul.f32 v49, v42;
	v49 =	vsub.f32 v53, v57  }
0xb1: {  	s12 =	sadd.s32 $0x40, s12;
	v40 =	vld.idx.msk [tilespmem:v59+s15+$0x0], $0xffff;
	v53 =	vmul.f32 v50, v0;
	v50 =	vadd.f32 v52, v32;
	v32 =	vmul.f32 v45, v1  }
0xb2: {  	p0 =	slt.u32 s12, $0x1FC0;
	v48 =	vadd.f32 v3, v48;
	v59 =	vadd.f32 v63, v55;
	v1 =	vmul.f32 v34, v1;
	v34 =	vld.idx.msk [tilespmem:v58+s15+$0x0], $0xffff  }
.Ltmp0:
0xb3: {  	s9 =	sadd.s32 $0x40, s9;
	v47 =	vadd.f32 v46, v47;
	v45 =	vmul.f32 v49, v7;
	v49 =	vadd.f32 v32, v41;
	v41 =	vld.idx.msk [tilespmem:v62+s15+$0x0], $0xffff;
	(pc) =	sbr.rel @p0 .LBB2_3-.Ltmp0, $4  }
0xb4: {  	v52 =	vadd.s32 $0x200, v16;
	v58 =	vmul.f32 v51, v5;
	v63 =	vadd.f32 v53, v29;
	v29 =	vld.idx.msk [tilespmem:v20+s15+$0x0], $0xffff;
	[tilespmem:s9+$0x30] =	vst v59  }
0xb5: {  	v51 =	vshrl.u32 v2, $0x10;
	v7 =	vmovc v43;
	v53 =	vand.u32 $0xFFFF, v2;
	v2 =	vsub.f32 v60, v50;
	v43 =	vld.idx.msk [tilespmem:v54+s15+$0x0], $0xffff  }
0xb6: {  	s8 =	smov.u32 s5;
	v32 =	vmul.f32 $1.525902190e-05, v61;
	v44 =	vld.idx.msk [tilespmem:v44+s15+$0x0], $0xffff;
	v36 =	vadd.f32 v58, v36;
	[tilespmem:s9+$0x20] =	vst v63;
	v54 =	vadd.f32 v45, v57  }
0xb7: {  	s5 =	smov.u32 s16;
	s16 =	smov.u32 s12;
	s14 =	smov.u32 s9;
	v38 =	vld [tilespmem:s4+$0xFFFFFFF0];
	v46 =	vadd.f32 v1, v56;
	v45 =	vadd.s32 $0x1, v16;
	v55 =	vmul.f32 v2, v4;
	v4 =	vmovc v42;
	v1 =	vmovc v30  }
0xb8: {  	_ =	sdelay $0x3  }
0xb9: {  	v3 =	vld.idx.msk [tilespmem:v26+s15+$0x0], $0xffff  }
0xba: {  	v30 =	vld.idx.msk [tilespmem:v16+s15+$0x0], $0xffff  }
0xbb: {  	v56 =	vld.idx.msk [tilespmem:v23+s15+$0x0], $0xffff  }
0xbc: {  	v62 =	vsub.f32 v54, v48;
	v54 =	vld.idx.msk [tilespmem:v18+s15+$0x0], $0xffff  }
0xbd: {  	v52 =	vld.idx.msk [tilespmem:v52+s15+$0x0], $0xffff  }
0xbe: {  	v28 =	vld.idx.msk [tilespmem:v28+s15+$0x0], $0xffff  }
0xbf: {  	v37 =	vld.idx.msk [tilespmem:v37+s15+$0x0], $0xffff  }
0xc0: {  	v2 =	vadd.s32 $0x200, v18;
	v26 =	vadd.s32 $0x1, v18;
	v33 =	vld.idx.msk [tilespmem:v33+s15+$0x0], $0xffff  }
0xc1: {  	v42 =	vadd.s32 $0x201, v18;
	v57 =	vadd.s32 $0x201, v16;
	v53 =	vcvt.s32.f32 v53;
	v45 =	vld.idx.msk [tilespmem:v45+s15+$0x0], $0xffff  }
0xc2: {  	v51 =	vcvt.s32.f32 v51;
	v58 =	vand.u32 $0xFFFF, v35;
	v11 =	vld.idx.msk [tilespmem:v11+s15+$0x0], $0xffff;
	v46 =	vsub.f32 v46, v49  }
0xc3: {  	v39 =	vcvt.s32.f32 v39;
	v40 =	vsub.f32 v40, v34;
	v10 =	vld.idx.msk [tilespmem:v10+s15+$0x0], $0xffff;
	v23 =	vadd.f32 v55, v50  }
0xc4: {  	v41 =	vsub.f32 v41, v29;
	v46 =	vmul.f32 v46, v9;
	v9 =	vld [tilespmem:$0x1FFC0];
	[tilespmem:s14+$0x0] =	vst v47;
	v63 =	vand.u32 $0xFFFF, v38  }
0xc5: {  	v47 =	vadd.s32 $0x5800, v20;
	v60 =	vshrl.u32 v38, $0x10;
	v31 =	vld.idx.msk [tilespmem:v31+s15+$0x0], $0xffff;
	v55 =	vcvt.s32.f32 v63  }
0xc6: {  	v27 =	vld.idx.msk [tilespmem:v27+s15+$0x0], $0xffff;
	v59 =	vadd.f32 v46, v49;
	v46 =	vcvt.s32.f32 v58;
	v3 =	vsub.f32 v3, v44  }
0xc7: {  	v2 =	vld.idx.msk [tilespmem:v2+s15+$0x0], $0xffff;
	v58 =	vshrl.u32 v35, $0x10;
	v38 =	vcvt.s32.f32 v60;
	v33 =	vsub.f32 v33, v37  }
0xc8: {  	v49 =	vld.idx.msk [tilespmem:v26+s15+$0x0], $0xffff;
	v45 =	vsub.f32 v45, v30;
	v35 =	vcvt.s32.f32 v58;
	v61 =	vmul.f32 v3, v12  }
0xc9: {  	v63 =	vld.idx.msk [tilespmem:v57+s15+$0x0], $0xffff;
	v10 =	vsub.f32 v10, v11;
	v3 =	vmul.f32 $1.525902190e-05, v39;
	v39 =	vmul.f32 $1.525902190e-05, v53  }
0xca: {  	[tilespmem:s14+$0x10] =	vst v36;
	v42 =	vld.idx.msk [tilespmem:v42+s15+$0x0], $0xffff;
	v53 =	vsub.f32 v28, v22;
	v36 =	vmul.f32 $1.525902190e-05, v46;
	v33 =	vmul.f32 v33, v32  }
0xcb: {  	v10 =	vmul.f32 v10, v1;
	v50 =	vmul.f32 v62, v9;
	v62 =	vsub.f32 v56, v43  }
0xcc: {  	v28 =	vmul.f32 $1.525902190e-05, v35;
	v35 =	vmul.f32 $1.525902190e-05, v55;
	v55 =	vadd.s32 $0x5800, v18  }
0xcd: {  	v21 =	vld.idx.msk [tilespmem:v21+s15+$0x0], $0xffff;
	v44 =	vadd.f32 v61, v44;
	v40 =	vmul.f32 v40, v39;
	v27 =	vsub.f32 v27, v31  }
0xce: {  	v24 =	vld.idx.msk [tilespmem:v24+s15+$0x0], $0xffff;
	v60 =	vmul.f32 v53, v39;
	v26 =	vadd.f32 v50, v48;
	v61 =	vsub.f32 v49, v54  }
0xcf: {  	v14 =	vld.idx.msk [tilespmem:v14+s15+$0x0], $0xffff;
	v12 =	vmul.f32 v62, v12;
	v42 =	vsub.f32 v42, v2;
	v62 =	vsub.f32 v63, v52  }
0xd0: {  	v9 =	vld [tilespmem:$0x1FFD0];
	v50 =	vadd.s32 $0x5A01, v17;
	v58 =	vadd.f32 v40, v34;
	v22 =	vadd.f32 v60, v22  }
0xd1: {  	v57 =	vadd.f32 v12, v43;
	v12 =	vmul.f32 $1.525902190e-05, v38;
	v38 =	vld.idx.msk [tilespmem:v25+s15+$0x0], $0xffff;
	v25 =	vmul.f32 $1.525902190e-05, v51  }
0xd2: {  	v15 =	vld.idx.msk [tilespmem:v15+s15+$0x0], $0xffff;
	v40 =	vmul.f32 v61, v36;
	v42 =	vmul.f32 v42, v36;
	v34 =	vsub.f32 v58, v22  }
0xd3: {  	v63 =	vadd.s32 $0x5A00, v17;
	v45 =	vmul.f32 v45, v35;
	v46 =	vmul.f32 v62, v35  }
0xd4: {  	v40 =	vadd.f32 v40, v54;
	v2 =	vadd.f32 v42, v2;
	v34 =	vmul.f32 v34, v25  }
0xd5: {  	v51 =	vadd.s32 $0x5800, v17;
	v30 =	vadd.f32 v45, v30;
	v46 =	vadd.f32 v46, v52  }
0xd6: {  	v13 =	vld.idx.msk [tilespmem:v13+s15+$0x0], $0xffff;
	v17 =	vadd.s32 $0x5801, v17;
	v2 =	vsub.f32 v2, v40;
	v22 =	vadd.f32 v34, v22  }
0xd7: {  	s4 =	sadd.s32 $0x40, s9;
	v19 =	vld.idx.msk [tilespmem:v19+s15+$0x0], $0xffff;
	v53 =	vmul.f32 v41, v32;
	v24 =	vsub.f32 v24, v21;
	v14 =	vsub.f32 v14, v15  }
0xd8: {  	v56 =	vadd.s32 $0x5801, v18;
	v9 =	vld.idx.msk [tilespmem:v9+s15+$0x0], $0xffff;
	v45 =	vsub.f32 v46, v30;
	v2 =	vmul.f32 v2, v28;
	[tilespmem:s4+$0x30] =	vst v22  }
0xd9: {  	v27 =	vmul.f32 v27, v6;
	v6 =	vmul.f32 v24, v6;
	v54 =	vsub.f32 v57, v44;
	v57 =	vld.idx.msk [tilespmem:v63+s15+$0x0], $0xffff  }
0xda: {  	v62 =	vadd.s32 $0x5A00, v18;
	v60 =	vmul.f32 v45, v12;
	v2 =	vadd.f32 v2, v40;
	v42 =	vld.idx.msk [tilespmem:v51+s15+$0x0], $0xffff  }
0xdb: {  	v18 =	vadd.s32 $0x5A01, v18;
	v22 =	vadd.f32 v53, v29;
	v29 =	vadd.f32 v33, v37;
	v17 =	vld.idx.msk [tilespmem:v17+s15+$0x0], $0xffff  }
0xdc: {  	v58 =	vadd.s32 $0x5801, v16;
	v8 =	vmul.f32 v54, v8;
	v30 =	vadd.f32 v60, v30;
	[tilespmem:s4+$0x0] =	vst v2;
	v2 =	vld.idx.msk [tilespmem:v50+s15+$0x0], $0xffff  }
0xdd: {  	v29 =	vsub.f32 v29, v22;
	v9 =	vsub.f32 v9, v13;
	v50 =	vadd.s32 $0x5A01, v16;
	v48 =	vld.idx.msk [tilespmem:v55+s15+$0x0], $0xffff  }
0xde: {  	v24 =	vsub.f32 v38, v19;
	[tilespmem:s4+$0x10] =	vst v30;
	v30 =	vadd.s32 $0x5800, v16;
	v16 =	vadd.s32 $0x5A00, v16;
	v33 =	vld.idx.msk [tilespmem:v56+s15+$0x0], $0xffff  }
0xdf: {  	v61 =	vadd.s32 $0x5801, v20;
	v29 =	vmul.f32 v29, v3;
	v49 =	vld.idx.msk [tilespmem:v62+s15+$0x0], $0xffff;
	v1 =	vmul.f32 v9, v1  }
0xe0: {  	v18 =	vld.idx.msk [tilespmem:v18+s15+$0x0], $0xffff;
	v9 =	vadd.f32 v10, v11;
	v11 =	vmul.f32 v24, v7;
	v7 =	vmul.f32 v14, v7  }
0xe1: {  	v63 =	vadd.s32 $0x5A01, v20;
	v20 =	vadd.s32 $0x5A00, v20;
	v22 =	vadd.f32 v29, v22;
	v29 =	vld.idx.msk [tilespmem:v58+s15+$0x0], $0xffff  }
0xe2: {  	v7 =	vadd.f32 v7, v15;
	v15 =	vld.idx.msk [tilespmem:v50+s15+$0x0], $0xffff  }
0xe3: {  	v6 =	vadd.f32 v6, v21;
	v8 =	vadd.f32 v8, v44;
	[tilespmem:s4+$0x20] =	vst v22;
	v16 =	vld.idx.msk [tilespmem:v16+s15+$0x0], $0xffff  }
0xe4: {  	v17 =	vsub.f32 v17, v42;
	v1 =	vadd.f32 v1, v13;
	v21 =	vld.idx.msk [tilespmem:v47+s15+$0x0], $0xffff  }
0xe5: {  	v11 =	vadd.f32 v11, v19;
	v22 =	vadd.f32 v27, v31;
	v10 =	vld.idx.msk [tilespmem:v61+s15+$0x0], $0xffff  }
0xe6: {  	v2 =	vsub.f32 v2, v57;
	v1 =	vsub.f32 v1, v9;
	v20 =	vld.idx.msk [tilespmem:v20+s15+$0x0], $0xffff  }
0xe7: {  	v14 =	vmul.f32 v17, v39;
	v17 =	vld.idx.msk [tilespmem:v63+s15+$0x0], $0xffff;
	v18 =	vsub.f32 v18, v49;
	v19 =	vsub.f32 v33, v48  }
0xe8: {  	v13 =	vld.idx.msk [tilespmem:v30+s15+$0x0], $0xffff;
	v7 =	vsub.f32 v7, v11;
	v6 =	vsub.f32 v6, v22;
	v2 =	vmul.f32 v2, v39  }
0xe9: {  	v14 =	vadd.f32 v14, v42;
	v18 =	vmul.f32 v18, v36;
	v19 =	vmul.f32 v19, v36  }
0xea: {  	v2 =	vadd.f32 v2, v57;
	v15 =	vsub.f32 v15, v16  }
0xeb: {  	v6 =	vmul.f32 v6, v4;
	v18 =	vadd.f32 v18, v49;
	v19 =	vadd.f32 v19, v48  }
0xec: {  	v10 =	vsub.f32 v10, v21;
	v17 =	vsub.f32 v17, v20  }
0xed: {  	v5 =	vmul.f32 v7, v5;
	v6 =	vadd.f32 v6, v22;
	v22 =	vsub.f32 v29, v13  }
0xee: {  	s8 =	sand.u32 $0x1FC0, s8;
	v2 =	vsub.f32 v2, v14;
	v10 =	vmul.f32 v10, v32;
	v17 =	vmul.f32 v17, v32  }
0xef: {  	[tilespmem:s8+$0x1C080] =	vst v23;
	v15 =	vmul.f32 v15, v35;
	v7 =	vsub.f32 v18, v19;
	v22 =	vmul.f32 v22, v35  }
0xf0: {  	[tilespmem:s0+$0x2020] =	vst v59;
	v0 =	vmul.f32 v1, v0;
	v10 =	vadd.f32 v10, v21;
	v4 =	vadd.f32 v17, v20  }
0xf1: {  	[tilespmem:s0+$0x2010] =	vst v26;
	v1 =	vadd.f32 v22, v13;
	v13 =	vadd.f32 v15, v16  }
0xf2: {  	s5 =	sand.u32 $0x1FC0, s5;
	[tilespmem:s14+$0x2030] =	vst v8;
	v0 =	vadd.f32 v0, v9;
	v2 =	vmul.f32 v2, v25;
	v4 =	vsub.f32 v4, v10  }
0xf3: {  	v5 =	vadd.f32 v5, v11;
	[tilespmem:s5+$0x1C080] =	vst v6;
	v6 =	vmul.f32 v7, v28;
	v7 =	vsub.f32 v13, v1  }
0xf4: {  	[tilespmem:s14+$0x2020] =	vst v0;
	v0 =	vadd.f32 v2, v14;
	v2 =	vmul.f32 v4, v3  }
0xf5: {  	[tilespmem:s14+$0x2010] =	vst v5;
	v3 =	vadd.f32 v6, v19;
	v4 =	vmul.f32 v7, v12  }
0xf6: {  	s8 =	sand.u32 $0x1FC0, s16;
	[tilespmem:s4+$0x2030] =	vst v0;
	v0 =	vadd.f32 v2, v10  }
0xf7: {  	s9 =	sor.u32 s7, s1;
	[tilespmem:s8+$0x1C080] =	vst v3;
	v1 =	vadd.f32 v4, v1  }
0xf8: {  	s0 =	sshrl.u32 s9, $0x3;
	[tilespmem:s4+$0x2020] =	vst v0  }
0xf9: {  	s11 =	sadd.s32 s6, s0;
	[tilespmem:s4+$0x2010] =	vst v1  }
0xfa: {  	[hbm4b:s11+s3] =	stream.linear.scatter [tilespmem:s21], [sflag:$0x5], $0x2000, $0x38;
	[tilespmem:$0x1E080] =	vst v63  }
0xfb: {  	s0 =	sadd.s32 s0, s10  }
0xfc: {  	[hbm4b:s0+s3] =	stream.linear.scatter [tilespmem:s22], [sflag:$0x6], $0x2000, $0x38;
	[tilespmem:$0x1E080] =	vst v63  }
0xfd: {  	_ =	swait.ge [sflag:s23], $0x5800  }
0xfe: {  	s12 =	sor.u32 $0x1, s13;
	[sflag:s23] =	ssyncset.done $0x0  }
0xff: {  	s1 =	sshll.u32 s12, $0x13;
	p0 =	sgt.u32 s12, $0x2E;
	[sflag:s23] =	ssyncadd.s32 $0xFFFFA800  }
0x100: {  	s0 =	sadd.s32 @!p0 s1, s29;
	_ =	swait.ge [sflag:s24], $0x5800  }
0x101: {  	s5 =	simm.s32 @!p0 $0x4080;
	s0 =	sshrl.u32 @!p0 s0, $0x3;
	[sflag:s24] =	ssyncset.done $0x0  }
0x102: {  	s4 =	simm.s32 @!p0 $0x0;
	s0 =	sadd.s32 @!p0 s2, s0;
	[sflag:s24] =	ssyncadd.s32 $0xFFFFA800  }
0x103: {  	[tilespmem:s5], [sflag:$0x1] =	stream.linear.gather @!p0 [hbm4b:s0+s4], $0x5800, $0x38;
	[tilespmem:$0x1E080] =	vst v63  }
0x104: {  	s0 =	sadd.s32 @!p0 s1, s30  }
0x105: {  	s0 =	sshrl.u32 @!p0 s0, $0x3  }
0x106: {  	s5 =	simm.s32 @!p0 $0x9880;
	s0 =	sadd.s32 @!p0 s2, s0  }
0x107: {  	[tilespmem:s5], [sflag:$0x2] =	stream.linear.gather @!p0 [hbm4b:s0+s4], $0x5800, $0x38;
	[tilespmem:$0x1E080] =	vst v63  }
0x108: {  	_ =	swait.ge [sflag:s25], $0x2000  }
0x109: {  	[sflag:s25] =	ssyncset.done $0x0  }
0x10a: {  	[sflag:s25] =	ssyncadd.s32 $0xFFFFE000  }
0x10b: {  	_ =	swait.ge [sflag:s26], $0x2000  }
0x10c: {  	[sflag:s26] =	ssyncset.done $0x0  }
0x10d: {  	s13 =	simm.s32 $0x20;
	[sflag:s26] =	ssyncadd.s32 $0xFFFFE000  }
0x10e: {  	v2 =	vld [tilespmem:s13+$0x10];
	_ =	sdelay $0x2  }
0x10f: {  	s14 =	simm.s32 $0x2020  }
0x110: {  	v4 =	vld [tilespmem:s14+$0x10]  }
0x111: {  	v7 =	vld [tilespmem:s13+$0xFFFFFFF0];
	v0 =	vadd.s32 $0xB000, v2  }
0x112: {  	v1 =	vld [tilespmem:s13+$0x0];
	v3 =	vadd.s32 $0xB001, v2  }
0x113: {  	v9 =	vld [tilespmem:s13+$0xFFFFFFE0];
	v5 =	vadd.s32 $0xB200, v2  }
0x114: {  	v12 =	vld [tilespmem:s14+$0xFFFFFFE0];
	v6 =	vadd.s32 $0xB201, v2  }
0x115: {  	v19 =	vld [tilespmem:s14+$0xFFFFFFF0]  }
0x116: {  	v10 =	vadd.s32 $0xB001, v7;
	v0 =	vld.idx.msk [tilespmem:v0+s15+$0x0], $0xffff  }
0x117: {  	v11 =	vadd.s32 $0xB000, v7;
	v3 =	vld.idx.msk [tilespmem:v3+s15+$0x0], $0xffff  }
0x118: {  	v5 =	vld.idx.msk [tilespmem:v5+s15+$0x0], $0xffff  }
0x119: {  	v8 =	vand.u32 $0xFFFF, v4;
	v4 =	vshrl.u32 v4, $0x10;
	v13 =	vadd.s32 $0xB201, v1;
	v6 =	vld.idx.msk [tilespmem:v6+s15+$0x0], $0xffff  }
0x11a: {  	v15 =	vld [tilespmem:s14+$0x0];
	v14 =	vadd.s32 $0xB201, v7;
	v17 =	vadd.s32 $0xB200, v1;
	v18 =	vadd.s32 $0xB000, v9  }
0x11b: {  	v20 =	vadd.s32 $0xB201, v9;
	v21 =	vadd.s32 $0xB001, v9;
	v22 =	vadd.s32 $0xB200, v9;
	v10 =	vld.idx.msk [tilespmem:v10+s15+$0x0], $0xffff  }
0x11c: {  	s28 =	simm.s32 $0x2060;
	v23 =	vadd.s32 $0xB200, v7;
	v25 =	vadd.s32 $0xB000, v1;
	v8 =	vcvt.s32.f32 v8;
	v11 =	vld.idx.msk [tilespmem:v11+s15+$0x0], $0xffff  }
0x11d: {  	s16 =	simm.s32 $0x60;
	v55 =	vld [tilespmem:s28+$0x10];
	v26 =	vshrl.u32 v19, $0x10;
	v19 =	vand.u32 $0xFFFF, v19;
	v28 =	vadd.s32 $0x10A01, v2  }
0x11e: {  	v35 =	vld [tilespmem:s16+$0x0];
	v16 =	vmul.f32 $1.525902190e-05, v8;
	v3 =	vsub.f32 v3, v0;
	v6 =	vsub.f32 v6, v5  }
0x11f: {  	v44 =	vld [tilespmem:s28+$0xFFFFFFE0];
	v29 =	vadd.s32 $0x10801, v2;
	v30 =	vadd.s32 $0x10A00, v2;
	v19 =	vcvt.s32.f32 v19  }
0x120: {  	v52 =	vadd.s32 $0x10A00, v7;
	v13 =	vld.idx.msk [tilespmem:v13+s15+$0x0], $0xffff;
	v3 =	vmul.f32 v3, v16;
	v6 =	vmul.f32 v6, v16  }
0x121: {  	v37 =	vadd.s32 $0x10801, v9;
	v31 =	vmul.f32 $1.525902190e-05, v19;
	v14 =	vld.idx.msk [tilespmem:v14+s15+$0x0], $0xffff;
	v10 =	vsub.f32 v10, v11  }
0x122: {  	v4 =	vcvt.s32.f32 v4;
	v17 =	vld.idx.msk [tilespmem:v17+s15+$0x0], $0xffff;
	v3 =	vadd.f32 v3, v0;
	v0 =	vadd.f32 v6, v5  }
0x123: {  	v20 =	vld.idx.msk [tilespmem:v20+s15+$0x0], $0xffff;
	v10 =	vmul.f32 v10, v31;
	v6 =	vshrl.u32 v15, $0x10;
	v15 =	vand.u32 $0xFFFF, v15  }
0x124: {  	v4 =	vmul.f32 $1.525902190e-05, v4;
	v23 =	vld.idx.msk [tilespmem:v23+s15+$0x0], $0xffff;
	v15 =	vcvt.s32.f32 v15;
	v0 =	vsub.f32 v0, v3  }
0x125: {  	v38 =	vadd.s32 $0x10800, v1;
	v56 =	vadd.f32 v10, v11;
	v10 =	vld [tilespmem:s16+$0xFFFFFFF0];
	v6 =	vcvt.s32.f32 v6  }
0x126: {  	v59 =	vand.u32 $0xFFFF, v55;
	v24 =	vmul.f32 $1.525902190e-05, v15;
	v15 =	vld.idx.msk [tilespmem:v18+s15+$0x0], $0xffff;
	v18 =	vmul.f32 v0, v4  }
0x127: {  	v34 =	vshrl.u32 v55, $0x10;
	v8 =	vadd.s32 $0xB001, v1;
	v21 =	vld.idx.msk [tilespmem:v21+s15+$0x0], $0xffff;
	v13 =	vsub.f32 v13, v17  }
0x128: {  	v0 =	vmul.f32 $1.525902190e-05, v6;
	v6 =	vshrl.u32 v12, $0x10;
	v3 =	vadd.f32 v18, v3;
	v18 =	vld.idx.msk [tilespmem:v22+s15+$0x0], $0xffff  }
0x129: {  	v5 =	vand.u32 $0xFFFF, v12;
	v22 =	vadd.s32 $0x10800, v2;
	v2 =	vcvt.s32.f32 v6;
	v6 =	vld [tilespmem:s16+$0x10]  }
0x12a: {  	v54 =	vld [tilespmem:s28+$0x0];
	v36 =	vadd.s32 $0x10A00, v1;
	v26 =	vcvt.s32.f32 v26;
	v5 =	vcvt.s32.f32 v5  }
0x12b: {  	s0 =	simm.s32 $0x1A080;
	v51 =	vld.idx.msk [tilespmem:v25+s15+$0x0], $0xffff;
	v19 =	vmul.f32 v13, v24;
	v13 =	vsub.f32 v14, v23;
	v53 =	vadd.s32 $0xB001, v10  }
0x12c: {  	v8 =	vld.idx.msk [tilespmem:v8+s15+$0x0], $0xffff;
	v11 =	vadd.s32 $0x10801, v1;
	v27 =	vmul.f32 $1.525902190e-05, v5;
	[tilespmem:s0+$0x30] =	vst v3;
	v3 =	vsub.f32 v21, v15  }
0x12d: {  	v5 =	vadd.s32 $0x10800, v7;
	v25 =	vmul.f32 v13, v31;
	v13 =	vld [tilespmem:s16+$0xFFFFFFE0];
	v17 =	vadd.f32 v19, v17  }
0x12e: {  	v29 =	vld.idx.msk [tilespmem:v29+s15+$0x0], $0xffff;
	v3 =	vmul.f32 v3, v27;
	v14 =	vsub.f32 v20, v18;
	v57 =	vadd.s32 $0xB000, v6  }
0x12f: {  	v19 =	vcvt.s32.f32 v34;
	v23 =	vadd.f32 v25, v23;
	v28 =	vld.idx.msk [tilespmem:v28+s15+$0x0], $0xffff;
	v58 =	vadd.s32 $0xB001, v6  }
0x130: {  	v34 =	vld.idx.msk [tilespmem:v53+s15+$0x0], $0xffff;
	v60 =	vadd.s32 $0xB200, v6;
	v3 =	vadd.f32 v3, v15;
	v15 =	vmul.f32 v14, v27  }
0x131: {  	v12 =	vadd.s32 $0x10A01, v1;
	v1 =	vadd.s32 $0xB201, v35;
	v49 =	vadd.s32 $0xB200, v10;
	v21 =	vld.idx.msk [tilespmem:v22+s15+$0x0], $0xffff  }
0x132: {  	v23 =	vsub.f32 v23, v56;
	v45 =	vadd.s32 $0xB000, v13;
	v15 =	vadd.f32 v15, v18;
	v18 =	vld.idx.msk [tilespmem:v30+s15+$0x0], $0xffff  }
0x133: {  	v47 =	vadd.s32 $0xB200, v13;
	v30 =	vsub.f32 v8, v51;
	v8 =	vmul.f32 $1.525902190e-05, v26;
	v26 =	vld.idx.msk [tilespmem:v57+s15+$0x0], $0xffff  }
0x134: {  	v32 =	vadd.s32 $0x10800, v10;
	v2 =	vmul.f32 $1.525902190e-05, v2;
	v61 =	vadd.s32 $0xB201, v6;
	v62 =	vld.idx.msk [tilespmem:v58+s15+$0x0], $0xffff  }
0x135: {  	v25 =	vadd.s32 $0x10A00, v9;
	v63 =	vld.idx.msk [tilespmem:v60+s15+$0x0], $0xffff;
	v15 =	vsub.f32 v15, v3;
	v23 =	vmul.f32 v23, v8  }
0x136: {  	v20 =	vadd.s32 $0x10801, v7;
	v22 =	vadd.s32 $0x10800, v9;
	v7 =	vadd.s32 $0x10A01, v7;
	v57 =	vld [tilespmem:s28+$0xFFFFFFF0]  }
0x137: {  	v46 =	vadd.s32 $0xB001, v13;
	v45 =	vld.idx.msk [tilespmem:v45+s15+$0x0], $0xffff;
	v15 =	vmul.f32 v15, v2;
	v23 =	vadd.f32 v23, v56  }
0x138: {  	v14 =	vadd.s32 $0x10A01, v9;
	v9 =	vcvt.s32.f32 v59;
	v30 =	vmul.f32 v30, v24;
	v42 =	vld.idx.msk [tilespmem:v47+s15+$0x0], $0xffff  }
0x139: {  	v55 =	vadd.s32 $0xB201, v13;
	v3 =	vadd.f32 v15, v3;
	v15 =	vsub.f32 v28, v18;
	v28 =	vld.idx.msk [tilespmem:v61+s15+$0x0], $0xffff;
	[tilespmem:s0+$0x10] =	vst v23  }
0x13a: {  	v40 =	vmul.f32 $1.525902190e-05, v9;
	v29 =	vsub.f32 v29, v21;
	v58 =	vadd.s32 $0xB000, v35;
	v43 =	vld.idx.msk [tilespmem:v5+s15+$0x0], $0xffff  }
0x13b: {  	v60 =	vadd.s32 $0x10A01, v6;
	v30 =	vadd.f32 v30, v51;
	v23 =	vadd.s32 $0xB200, v35;
	v20 =	vld.idx.msk [tilespmem:v20+s15+$0x0], $0xffff  }
0x13c: {  	v29 =	vmul.f32 v29, v16;
	v56 =	vadd.s32 $0xB201, v10;
	v5 =	vadd.s32 $0xB000, v10;
	v41 =	vld.idx.msk [tilespmem:v52+s15+$0x0], $0xffff;
	[tilespmem:s0+$0x0] =	vst v3  }
0x13d: {  	v9 =	vsub.f32 v62, v26;
	v61 =	vand.u32 $0xFFFF, v44;
	v3 =	vsub.f32 v17, v30;
	v17 =	vld.idx.msk [tilespmem:v22+s15+$0x0], $0xffff  }
0x13e: {  	v62 =	vshrl.u32 v57, $0x10;
	v15 =	vmul.f32 v15, v16;
	v16 =	vadd.s32 $0xB001, v35;
	v37 =	vld.idx.msk [tilespmem:v37+s15+$0x0], $0xffff  }
0x13f: {  	v7 =	vld.idx.msk [tilespmem:v7+s15+$0x0], $0xffff;
	v53 =	vcvt.s32.f32 v62;
	v9 =	vmul.f32 v9, v40;
	v22 =	vadd.f32 v29, v21  }
0x140: {  	v21 =	vshrl.u32 v54, $0x10;
	v29 =	vcvt.s32.f32 v61;
	v28 =	vsub.f32 v28, v63;
	v48 =	vld.idx.msk [tilespmem:v23+s15+$0x0], $0xffff  }
0x141: {  	v61 =	vadd.s32 $0x10801, v6;
	v3 =	vmul.f32 v3, v0;
	v51 =	vld.idx.msk [tilespmem:v5+s15+$0x0], $0xffff;
	v5 =	vsub.f32 v20, v43  }
0x142: {  	v20 =	vcvt.s32.f32 v21;
	v21 =	vld.idx.msk [tilespmem:v1+s15+$0x0], $0xffff;
	v1 =	vand.u32 $0xFFFF, v54;
	v28 =	vmul.f32 v28, v40  }
0x143: {  	v9 =	vadd.f32 v9, v26;
	v1 =	vcvt.s32.f32 v1;
	v50 =	vld.idx.msk [tilespmem:v16+s15+$0x0], $0xffff;
	v37 =	vsub.f32 v37, v17  }
0x144: {  	v59 =	vmul.f32 v5, v31;
	v26 =	vadd.f32 v28, v63;
	v28 =	vadd.f32 v3, v30;
	v30 =	vld.idx.msk [tilespmem:v56+s15+$0x0], $0xffff  }
0x145: {  	v5 =	vmul.f32 $1.525902190e-05, v19;
	v63 =	vld.idx.msk [tilespmem:v55+s15+$0x0], $0xffff;
	v3 =	vmul.f32 $1.525902190e-05, v1;
	v1 =	vadd.f32 v15, v18  }
0x146: {  	s8 =	simm.s32 $0x20A0;
	v55 =	vadd.s32 $0x10A00, v6;
	v18 =	vld.idx.msk [tilespmem:v46+s15+$0x0], $0xffff;
	v46 =	vmul.f32 v37, v27;
	v19 =	vsub.f32 v26, v9  }
0x147: {  	v56 =	vld [tilespmem:s8+$0x10];
	v26 =	vand.u32 $0xFFFF, v57;
	v16 =	vsub.f32 v1, v22;
	v1 =	vmul.f32 $1.525902190e-05, v20  }
0x148: {  	v20 =	vadd.s32 $0x10800, v6;
	v23 =	vsub.f32 v34, v51;
	v34 =	vadd.s32 $0x10801, v10  }
0x149: {  	[tilespmem:s0+$0x20] =	vst v28;
	v28 =	vadd.s32 $0x10800, v13;
	v6 =	vcvt.s32.f32 v26;
	v15 =	vmul.f32 v19, v5  }
0x14a: {  	v19 =	vadd.f32 v59, v43;
	v4 =	vmul.f32 v16, v4;
	v43 =	vsub.f32 v7, v41  }
0x14b: {  	v49 =	vld.idx.msk [tilespmem:v49+s15+$0x0], $0xffff;
	v16 =	vsub.f32 v21, v48;
	v7 =	vmul.f32 $1.525902190e-05, v6;
	v26 =	vsub.f32 v18, v45  }
0x14c: {  	v21 =	vld.idx.msk [tilespmem:v38+s15+$0x0], $0xffff;
	v33 =	vsub.f32 v63, v42;
	v38 =	vand.u32 $0xFFFF, v56;
	v15 =	vadd.f32 v15, v9  }
0x14d: {  	s11 =	simm.s32 $0xA0;
	v39 =	vld.idx.msk [tilespmem:v58+s15+$0x0], $0xffff;
	v9 =	vshrl.u32 v44, $0x10;
	v44 =	vadd.f32 v4, v22;
	v47 =	vmul.f32 v16, v3  }
0x14e: {  	v18 =	vld [tilespmem:s11+$0x10];
	v4 =	vmul.f32 $1.525902190e-05, v29;
	v16 =	vadd.s32 $0x10801, v35;
	v38 =	vcvt.s32.f32 v38  }
0x14f: {  	v37 =	vld.idx.msk [tilespmem:v25+s15+$0x0], $0xffff;
	v43 =	vmul.f32 v43, v31;
	v22 =	vcvt.s32.f32 v9;
	v9 =	vadd.s32 $0x10A01, v35  }
0x150: {  	s13 =	simm.s32 $0x1A0C0;
	v29 =	vld.idx.msk [tilespmem:v11+s15+$0x0], $0xffff;
	v11 =	vmul.f32 v23, v7;
	v23 =	vsub.f32 v30, v49;
	v30 =	vadd.s32 $0x10A00, v10  }
0x151: {  	[tilespmem:s13+$0x30] =	vst v15;
	v15 =	vadd.s32 $0x10801, v13;
	v33 =	vmul.f32 v33, v4;
	v6 =	vmul.f32 $1.525902190e-05, v22;
	v22 =	vld.idx.msk [tilespmem:v36+s15+$0x0], $0xffff  }
0x152: {  	v51 =	vadd.f32 v11, v51;
	v11 =	vmul.f32 v26, v4;
	v62 =	vmul.f32 v23, v7;
	v26 =	vld.idx.msk [tilespmem:v20+s15+$0x0], $0xffff  }
0x153: {  	v23 =	vadd.s32 $0x10A01, v10;
	v20 =	vadd.s32 $0x10800, v35;
	v54 =	vld.idx.msk [tilespmem:v61+s15+$0x0], $0xffff;
	v58 =	vadd.s32 $0xB000, v18  }
0x154: {  	v52 =	vld.idx.msk [tilespmem:v60+s15+$0x0], $0xffff;
	v59 =	vadd.s32 $0xB001, v18;
	v60 =	vadd.s32 $0xB200, v18;
	v25 =	vadd.f32 v33, v42  }
0x155: {  	v61 =	vadd.s32 $0xB201, v18;
	v42 =	vsub.f32 v50, v39;
	v36 =	vadd.f32 v62, v49;
	v49 =	vld.idx.msk [tilespmem:v12+s15+$0x0], $0xffff  }
0x156: {  	v57 =	vadd.f32 v11, v45;
	v62 =	vsub.f32 v29, v21;
	v12 =	vshrl.u32 v56, $0x10;
	v29 =	vld.idx.msk [tilespmem:v55+s15+$0x0], $0xffff  }
0x157: {  	v11 =	vadd.s32 $0x10A01, v13;
	v33 =	vcvt.s32.f32 v12;
	v12 =	vld [tilespmem:s11+$0x0];
	v42 =	vmul.f32 v42, v3  }
0x158: {  	v13 =	vadd.s32 $0x10A00, v13;
	v50 =	vsub.f32 v25, v57;
	v63 =	vsub.f32 v54, v26;
	v54 =	vld.idx.msk [tilespmem:v14+s15+$0x0], $0xffff  }
0x159: {  	v31 =	vld [tilespmem:s8+$0xFFFFFFE0];
	v25 =	vmul.f32 $1.525902190e-05, v53;
	v53 =	vsub.f32 v36, v51;
	v42 =	vadd.f32 v42, v39  }
0x15a: {  	v10 =	vld [tilespmem:s11+$0xFFFFFFE0];
	v50 =	vmul.f32 v50, v6;
	v45 =	vmul.f32 v63, v40;
	v63 =	vsub.f32 v49, v22  }
0x15b: {  	v14 =	vld [tilespmem:s11+$0xFFFFFFF0];
	v53 =	vmul.f32 v53, v25;
	v49 =	vadd.f32 v47, v48;
	v56 =	vsub.f32 v52, v29  }
0x15c: {  	v36 =	vld.idx.msk [tilespmem:v58+s15+$0x0], $0xffff;
	v52 =	vadd.f32 v43, v41;
	v55 =	vadd.f32 v50, v57;
	v50 =	vmul.f32 v62, v24  }
0x15d: {  	[tilespmem:s0+$0x2030] =	vst v44;
	v44 =	vld.idx.msk [tilespmem:v60+s15+$0x0], $0xffff;
	v47 =	vadd.s32 $0xB201, v12;
	v39 =	vmul.f32 v63, v24;
	v63 =	vsub.f32 v54, v37  }
0x15e: {  	s9 =	simm.s32 $0x1A0C0;
	s5 =	simm.s32 $0x0;
	v48 =	vld.idx.msk [tilespmem:v59+s15+$0x0], $0xffff;
	v53 =	vadd.f32 v53, v51;
	v43 =	vadd.s32 $0xB001, v12;
	v24 =	vadd.s32 $0x10A00, v35  }
0x15f: {  	s4 =	simm.s32 $0x80;
	s14 =	simm.s32 $0x40;
	s16 =	simm.s32 $0x80;
	v51 =	vld.idx.msk [tilespmem:v61+s15+$0x0], $0xffff;
	v41 =	vmul.f32 v56, v40;
	v40 =	vadd.s32 $0xB200, v12;
	[tilespmem:s13+$0x0] =	vst v55;
	v35 =	vmul.f32 v63, v27  }
.LBB2_5:
0x160: {  	s4 =	sadd.s32 $0x40, s4;
	v54 =	vadd.s32 $0xB000, v14;
	v55 =	vadd.s32 $0xB001, v14;
	v56 =	vld [tilespmem:s8+$0x0];
	[tilespmem:s13+$0x10] =	vst v53;
	s9 =	sadd.s32 $0x40, s9;
	v46 =	vadd.f32 v46, v17  }
0x161: {  	v53 =	vadd.s32 $0xB000, v10;
	v57 =	vadd.s32 $0xB001, v10;
	v17 =	vsub.f32 v52, v19;
	p0 =	slt.u32 s4, $0x1FC0;
	v32 =	vld.idx.msk [tilespmem:v32+s15+$0x0], $0xffff  }
0x162: {  	v52 =	vadd.s32 $0xB200, v10;
	v58 =	vadd.s32 $0xB201, v10;
	v50 =	vadd.f32 v50, v21;
	v34 =	vld.idx.msk [tilespmem:v34+s15+$0x0], $0xffff  }
0x163: {  	v59 =	vadd.s32 $0xB200, v14;
	v21 =	vadd.s32 $0xB201, v14;
	v17 =	vmul.f32 v17, v8;
	v8 =	vmovc v25;
	v27 =	vld.idx.msk [tilespmem:v30+s15+$0x0], $0xffff  }
0x164: {  	v60 =	vadd.s32 $0xB000, v12;
	v37 =	vadd.f32 v35, v37;
	v25 =	vsub.f32 v49, v42;
	v30 =	vld [tilespmem:s8+$0xFFFFFFF0]  }
0x165: {  	v35 =	vmul.f32 $1.525902190e-05, v38;
	v38 =	vsub.f32 v48, v36;
	v19 =	vadd.f32 v17, v19;
	v49 =	vld.idx.msk [tilespmem:v55+s15+$0x0], $0xffff  }
0x166: {  	v26 =	vadd.f32 v45, v26;
	v48 =	vand.u32 $0xFFFF, v31;
	v51 =	vsub.f32 v51, v44;
	v17 =	vld.idx.msk [tilespmem:v28+s15+$0x0], $0xffff  }
0x167: {  	v38 =	vmul.f32 v38, v35;
	v25 =	vmul.f32 v25, v1;
	v28 =	vshrl.u32 v56, $0x10;
	v23 =	vld.idx.msk [tilespmem:v23+s15+$0x0], $0xffff;
	[tilespmem:s0+$0x2010] =	vst v19  }
0x168: {  	v45 =	vcvt.s32.f32 v48;
	v19 =	vsub.f32 v34, v32;
	v34 =	vsub.f32 v37, v46;
	v48 =	vld.idx.msk [tilespmem:v54+s15+$0x0], $0xffff  }
0x169: {  	v36 =	vadd.f32 v38, v36;
	v38 =	vadd.f32 v25, v42;
	v28 =	vcvt.s32.f32 v28;
	v37 =	vld.idx.msk [tilespmem:v47+s15+$0x0], $0xffff  }
0x16a: {  	v22 =	vadd.f32 v39, v22;
	v47 =	vmul.f32 v51, v35;
	v42 =	vld.idx.msk [tilespmem:v21+s15+$0x0], $0xffff;
	v21 =	vand.u32 $0xFFFF, v56  }
0x16b: {  	v54 =	vshrl.u32 v30, $0x10;
	v19 =	vmul.f32 v19, v7;
	v51 =	vld.idx.msk [tilespmem:v58+s15+$0x0], $0xffff;
	v21 =	vcvt.s32.f32 v21  }
0x16c: {  	v33 =	vmul.f32 $1.525902190e-05, v33;
	v22 =	vsub.f32 v22, v50;
	v44 =	vadd.f32 v47, v44;
	v25 =	vld.idx.msk [tilespmem:v43+s15+$0x0], $0xffff;
	[tilespmem:s13+$0x20] =	vst v38  }
0x16d: {  	v30 =	vand.u32 $0xFFFF, v30;
	v43 =	vmul.f32 $1.525902190e-05, v21;
	v21 =	vld.idx.msk [tilespmem:v20+s15+$0x0], $0xffff;
	v20 =	vadd.f32 v41, v29  }
0x16e: {  	v22 =	vmul.f32 v22, v0;
	v0 =	vmovc v1;
	v38 =	vadd.s32 $0x10A01, v18;
	v29 =	vsub.f32 v44, v36;
	v39 =	vld.idx.msk [tilespmem:v40+s15+$0x0], $0xffff  }
0x16f: {  	v34 =	vmul.f32 v34, v2;
	v2 =	vmovc v6;
	v41 =	vcvt.s32.f32 v54;
	v40 =	vld.idx.msk [tilespmem:v53+s15+$0x0], $0xffff;
	v20 =	vsub.f32 v20, v26  }
0x170: {  	v1 =	vmul.f32 $1.525902190e-05, v28;
	v28 =	vadd.s32 $0x10801, v18;
	v6 =	vmul.f32 v29, v33;
	v44 =	vld.idx.msk [tilespmem:v60+s15+$0x0], $0xffff  }
0x171: {  	v47 =	vadd.s32 $0x10A00, v18;
	v19 =	vadd.f32 v19, v32;
	v32 =	vadd.f32 v34, v46;
	v29 =	vld.idx.msk [tilespmem:v59+s15+$0x0], $0xffff  }
0x172: {  	s12 =	sand.u32 $0x1FC0, s5;
	s5 =	smov.u32 s14;
	s14 =	smov.u32 s16;
	v22 =	vadd.f32 v22, v50;
	v6 =	vadd.f32 v6, v36;
	v20 =	vmul.f32 v20, v5;
	v34 =	vld.idx.msk [tilespmem:v57+s15+$0x0], $0xffff  }
0x173: {  	s16 =	smov.u32 s4;
	v31 =	vshrl.u32 v31, $0x10;
	v18 =	vadd.s32 $0x10800, v18;
	v50 =	vsub.f32 v23, v27;
	v5 =	vmovc v33;
	v36 =	vld.idx.msk [tilespmem:v52+s15+$0x0], $0xffff;
	[tilespmem:s12+$0x1C080] =	vst v32  }
0x174: {  	s8 =	sadd.s32 $0x40, s8;
	v23 =	vcvt.s32.f32 v30;
	v30 =	vsub.f32 v37, v39;
	v33 =	vld.idx.msk [tilespmem:v16+s15+$0x0], $0xffff;
	v16 =	vadd.f32 v20, v26;
	[tilespmem:s0+$0x2020] =	vst v22;
	s0 =	smov.u32 s13;
	s13 =	smov.u32 s9  }
0x175: {  	v20 =	vcvt.s32.f32 v31;
	v31 =	vadd.s32 $0x10A01, v12;
	v52 =	vld [tilespmem:s8+$0x10];
	[tilespmem:s9+$0x30] =	vst v6  }
0x176: {  	v53 =	vmul.f32 $1.525902190e-05, v23;
	v23 =	vsub.f32 v49, v48;
	v49 =	vmul.f32 v30, v43;
	v37 =	vld.idx.msk [tilespmem:v15+s15+$0x0], $0xffff;
	[tilespmem:s0+$0x2030] =	vst v16  }
0x177: {  	v54 =	vmul.f32 $1.525902190e-05, v45;
	v32 =	vadd.s32 $0x10800, v14;
	v6 =	vmul.f32 $1.525902190e-05, v20;
	v22 =	vld.idx.msk [tilespmem:v24+s15+$0x0], $0xffff  }
0x178: {  	v30 =	vadd.s32 $0x10A00, v14;
	v15 =	vmul.f32 v23, v53;
	v20 =	vsub.f32 v42, v29;
	v26 =	vld.idx.msk [tilespmem:v18+s15+$0x0], $0xffff  }
0x179: {  	s11 =	sadd.s32 $0x40, s11;
	v23 =	vsub.f32 v34, v40;
	v34 =	vadd.s32 $0x10801, v14;
	v24 =	vsub.f32 v51, v36;
	v42 =	vld.idx.msk [tilespmem:v28+s15+$0x0], $0xffff  }
0x17a: {  	v16 =	vadd.s32 $0x10801, v12;
	v51 =	vadd.f32 v15, v48;
	v28 =	vadd.s32 $0x10800, v10;
	v18 =	vld [tilespmem:s11+$0x10]  }
0x17b: {  	v48 =	vmul.f32 v20, v53;
	v46 =	vmul.f32 v23, v54;
	v23 =	vadd.s32 $0x10A01, v14;
	v45 =	vld [tilespmem:s11+$0xFFFFFFE0]  }
0x17c: {  	v15 =	vadd.s32 $0x10801, v10;
	v20 =	vadd.s32 $0x10800, v12;
	v37 =	vsub.f32 v37, v17;
	v14 =	vld [tilespmem:s11+$0xFFFFFFF0]  }
0x17d: {  	v56 =	vadd.s32 $0x10A01, v10;
	v48 =	vadd.f32 v48, v29;
	v40 =	vadd.f32 v46, v40;
	v55 =	vld [tilespmem:s11+$0x0]  }
0x17e: {  	v57 =	vadd.s32 $0x10A00, v10;
	v29 =	vand.u32 $0xFFFF, v52;
	v24 =	vmul.f32 v24, v54;
	v58 =	vld.idx.msk [tilespmem:v9+s15+$0x0], $0xffff;
	v9 =	vmovc v31  }
0x17f: {  	v46 =	vmul.f32 v37, v4;
	v31 =	vadd.s32 $0xB000, v18;
	v59 =	vadd.s32 $0xB001, v18;
	v60 =	vld.idx.msk [tilespmem:v38+s15+$0x0], $0xffff  }
0x180: {  	v63 =	vsub.f32 v33, v21;
	v61 =	vadd.s32 $0xB200, v18;
	v62 =	vadd.s32 $0xB201, v18;
	v37 =	vld.idx.msk [tilespmem:v13+s15+$0x0], $0xffff;
	v10 =	vmovc v45;
	v13 =	vmovc v57  }
0x181: {  	v33 =	vshrl.u32 v52, $0x10;
	v24 =	vadd.f32 v24, v36;
	v38 =	vcvt.s32.f32 v29;
	v29 =	vld.idx.msk [tilespmem:v47+s15+$0x0], $0xffff  }
0x182: {  	v33 =	vcvt.s32.f32 v33;
	v42 =	vsub.f32 v42, v26;
	v45 =	vsub.f32 v25, v44;
	v47 =	vld.idx.msk [tilespmem:v11+s15+$0x0], $0xffff;
	v11 =	vmovc v56  }
0x183: {  	v24 =	vsub.f32 v24, v40;
	v25 =	vmul.f32 $1.525902190e-05, v41;
	v41 =	vsub.f32 v48, v51  }
0x184: {  	v52 =	vsub.f32 v58, v22;
	v36 =	vld.idx.msk [tilespmem:v31+s15+$0x0], $0xffff;
	v31 =	vmul.f32 v45, v43;
	v45 =	vmul.f32 v42, v35  }
0x185: {  	v49 =	vadd.f32 v49, v39;
	v24 =	vmul.f32 v24, v6;
	v56 =	vmul.f32 v50, v7;
	v48 =	vld.idx.msk [tilespmem:v59+s15+$0x0], $0xffff  }
.Ltmp1:
0x186: {  	v41 =	vmul.f32 v41, v25;
	v7 =	vmovc v53;
	v39 =	vmul.f32 v52, v3;
	v42 =	vadd.f32 v31, v44;
	(pc) =	sbr.rel @p0 .LBB2_5-.Ltmp1, $4  }
0x187: {  	v40 =	vadd.f32 v24, v40;
	v50 =	vmul.f32 v63, v3;
	v3 =	vmovc v43;
	v57 =	vsub.f32 v60, v29  }
0x188: {  	v24 =	vadd.s32 $0x10A00, v12;
	v12 =	vmovc v55;
	v52 =	vadd.f32 v56, v27;
	v58 =	vsub.f32 v47, v37;
	v31 =	vld [tilespmem:s8+$0xFFFFFFE0]  }
0x189: {  	v53 =	vadd.f32 v41, v51;
	v47 =	vadd.s32 $0xB201, v12;
	v41 =	vmul.f32 v57, v35;
	v44 =	vld.idx.msk [tilespmem:v61+s15+$0x0], $0xffff;
	[tilespmem:s9+$0x0] =	vst v40  }
0x18a: {  	v43 =	vadd.s32 $0xB001, v12;
	v40 =	vadd.s32 $0xB200, v12;
	v35 =	vmul.f32 v58, v4;
	v4 =	vmovc v54;
	v51 =	vld.idx.msk [tilespmem:v62+s15+$0x0], $0xffff  }
0x18b: {  	_ =	sdelay $0x1  }
0x18c: {  	v55 =	vld [tilespmem:s8+$0x0]  }
0x18d: {  	v54 =	vadd.s32 $0xB000, v14;
	v27 =	vadd.s32 $0xB001, v14;
	v60 =	vld [tilespmem:s8+$0xFFFFFFF0]  }
0x18e: {  	[tilespmem:s13+$0x10] =	vst v53;
	v46 =	vadd.f32 v46, v17;
	v17 =	vadd.s32 $0xB000, v10;
	v53 =	vadd.s32 $0xB001, v10;
	v40 =	vld.idx.msk [tilespmem:v40+s15+$0x0], $0xffff  }
0x18f: {  	v52 =	vsub.f32 v52, v19;
	v56 =	vadd.s32 $0xB200, v10;
	v57 =	vadd.s32 $0xB201, v10;
	v43 =	vld.idx.msk [tilespmem:v43+s15+$0x0], $0xffff  }
0x190: {  	v50 =	vadd.f32 v50, v21;
	v58 =	vadd.s32 $0xB200, v14;
	v49 =	vsub.f32 v49, v42;
	v13 =	vld.idx.msk [tilespmem:v13+s15+$0x0], $0xffff  }
0x191: {  	v59 =	vadd.s32 $0xB201, v14;
	v62 =	vsub.f32 v48, v36;
	v26 =	vadd.f32 v45, v26;
	v11 =	vld.idx.msk [tilespmem:v11+s15+$0x0], $0xffff  }
0x192: {  	v21 =	vmul.f32 $1.525902190e-05, v38;
	v22 =	vadd.f32 v39, v22;
	v29 =	vadd.f32 v41, v29;
	v32 =	vld.idx.msk [tilespmem:v32+s15+$0x0], $0xffff  }
0x193: {  	v34 =	vld.idx.msk [tilespmem:v34+s15+$0x0], $0xffff;
	v35 =	vadd.f32 v35, v37;
	v8 =	vmul.f32 v52, v8;
	v52 =	vadd.s32 $0xB000, v12  }
0x194: {  	v63 =	vand.u32 $0xFFFF, v31;
	v37 =	vmul.f32 v62, v21;
	v22 =	vsub.f32 v22, v50;
	v38 =	vld.idx.msk [tilespmem:v27+s15+$0x0], $0xffff  }
0x195: {  	v62 =	vmul.f32 v49, v1;
	v29 =	vsub.f32 v29, v26;
	v8 =	vadd.f32 v8, v19;
	v27 =	vld.idx.msk [tilespmem:v28+s15+$0x0], $0xffff  }
0x196: {  	v49 =	vcvt.s32.f32 v63;
	v48 =	vsub.f32 v51, v44;
	v36 =	vadd.f32 v37, v36;
	v51 =	vld.idx.msk [tilespmem:v54+s15+$0x0], $0xffff  }
0x197: {  	v42 =	vadd.f32 v62, v42;
	v0 =	vmul.f32 v22, v0;
	v5 =	vmul.f32 v29, v5;
	v45 =	vld.idx.msk [tilespmem:v59+s15+$0x0], $0xffff  }
0x198: {  	v61 =	vshrl.u32 v55, $0x10;
	v63 =	vsub.f32 v34, v32;
	v34 =	vsub.f32 v35, v46;
	v35 =	vld.idx.msk [tilespmem:v47+s15+$0x0], $0xffff  }
0x199: {  	v62 =	vshrl.u32 v60, $0x10;
	v11 =	vsub.f32 v11, v13;
	v54 =	vmul.f32 v48, v21;
	v47 =	vld.idx.msk [tilespmem:v57+s15+$0x0], $0xffff  }
0x19a: {  	v28 =	vcvt.s32.f32 v61;
	v61 =	vand.u32 $0xFFFF, v55;
	v55 =	vld.idx.msk [tilespmem:v58+s15+$0x0], $0xffff;
	v58 =	vcvt.s32.f32 v62  }
0x19b: {  	v57 =	vld.idx.msk [tilespmem:v53+s15+$0x0], $0xffff;
	v53 =	vadd.s32 $0x10A00, v18;
	[tilespmem:s13+$0x20] =	vst v42;
	v42 =	vmul.f32 $1.525902190e-05, v49;
	v39 =	vcvt.s32.f32 v61  }
0x19c: {  	v59 =	vld.idx.msk [tilespmem:v56+s15+$0x0], $0xffff;
	v61 =	vshrl.u32 v31, $0x10;
	v37 =	vadd.f32 v54, v44;
	v44 =	vmul.f32 v63, v7  }
0x19d: {  	v54 =	vld.idx.msk [tilespmem:v17+s15+$0x0], $0xffff;
	v17 =	vmul.f32 $1.525902190e-05, v33;
	v63 =	vand.u32 $0xFFFF, v60;
	v2 =	vmul.f32 v34, v2  }
0x19e: {  	v62 =	vld.idx.msk [tilespmem:v52+s15+$0x0], $0xffff;
	v60 =	vadd.s32 $0x10801, v18;
	v31 =	vcvt.s32.f32 v61;
	v33 =	vcvt.s32.f32 v63  }
0x19f: {  	v41 =	vmul.f32 $1.525902190e-05, v58;
	v58 =	vadd.s32 $0x10801, v14;
	v19 =	vmul.f32 $1.525902190e-05, v39  }
0x1a0: {  	v38 =	vsub.f32 v38, v51;
	v33 =	vmul.f32 $1.525902190e-05, v33;
	v45 =	vsub.f32 v45, v55  }
0x1a1: {  	v15 =	vld.idx.msk [tilespmem:v15+s15+$0x0], $0xffff;
	v63 =	vadd.s32 $0x10800, v18;
	v37 =	vsub.f32 v37, v36;
	v47 =	vsub.f32 v47, v59  }
0x1a2: {  	v30 =	vld.idx.msk [tilespmem:v30+s15+$0x0], $0xffff;
	v35 =	vsub.f32 v35, v40;
	v38 =	vmul.f32 v38, v33;
	v45 =	vmul.f32 v45, v33  }
0x1a3: {  	v23 =	vld.idx.msk [tilespmem:v23+s15+$0x0], $0xffff;
	v37 =	vmul.f32 v37, v17;
	v43 =	vsub.f32 v43, v62;
	v22 =	vsub.f32 v57, v54  }
0x1a4: {  	v20 =	vld.idx.msk [tilespmem:v20+s15+$0x0], $0xffff;
	v56 =	vmul.f32 v47, v42;
	v52 =	vadd.f32 v38, v51;
	v55 =	vadd.f32 v45, v55  }
0x1a5: {  	v16 =	vld.idx.msk [tilespmem:v16+s15+$0x0], $0xffff;
	v39 =	vadd.s32 $0x10A01, v18;
	v35 =	vmul.f32 v35, v19;
	v43 =	vmul.f32 v43, v19  }
0x1a6: {  	v24 =	vld.idx.msk [tilespmem:v24+s15+$0x0], $0xffff;
	v36 =	vadd.f32 v37, v36;
	v22 =	vmul.f32 v22, v42;
	v38 =	vsub.f32 v55, v52  }
0x1a7: {  	s4 =	sadd.s32 $0x40, s9;
	v9 =	vld.idx.msk [tilespmem:v9+s15+$0x0], $0xffff;
	v57 =	vadd.s32 $0x10800, v14;
	v35 =	vadd.f32 v35, v40;
	v37 =	vadd.f32 v43, v62  }
0x1a8: {  	v45 =	vadd.f32 v56, v59;
	[tilespmem:s4+$0x30] =	vst v36;
	v22 =	vadd.f32 v22, v54;
	v38 =	vmul.f32 v38, v41  }
0x1a9: {  	v28 =	vmul.f32 $1.525902190e-05, v28;
	v31 =	vmul.f32 $1.525902190e-05, v31;
	v18 =	vld.idx.msk [tilespmem:v63+s15+$0x0], $0xffff;
	v35 =	vsub.f32 v35, v37  }
0x1aa: {  	v59 =	vadd.s32 $0x10A00, v14;
	v34 =	vld.idx.msk [tilespmem:v60+s15+$0x0], $0xffff;
	v45 =	vsub.f32 v45, v22;
	v36 =	vadd.f32 v38, v52  }
0x1ab: {  	v23 =	vsub.f32 v23, v30;
	v0 =	vadd.f32 v0, v50;
	v61 =	vadd.s32 $0x10A01, v14;
	v39 =	vld.idx.msk [tilespmem:v39+s15+$0x0], $0xffff  }
0x1ac: {  	v62 =	vadd.s32 $0x10800, v12;
	v43 =	vld.idx.msk [tilespmem:v53+s15+$0x0], $0xffff;
	v35 =	vmul.f32 v35, v28;
	v45 =	vmul.f32 v45, v31;
	[tilespmem:s4+$0x10] =	vst v36  }
0x1ad: {  	v49 =	vmul.f32 v23, v7;
	v32 =	vadd.f32 v44, v32;
	v63 =	vadd.s32 $0x10801, v12;
	v44 =	vld.idx.msk [tilespmem:v57+s15+$0x0], $0xffff  }
0x1ae: {  	v53 =	vadd.s32 $0x10A00, v12;
	v52 =	vadd.f32 v35, v37;
	v22 =	vadd.f32 v45, v22;
	v45 =	vld.idx.msk [tilespmem:v58+s15+$0x0], $0xffff  }
0x1af: {  	v5 =	vadd.f32 v5, v26;
	v7 =	vadd.f32 v49, v30;
	v56 =	vadd.s32 $0x10A01, v12;
	v51 =	vld.idx.msk [tilespmem:v59+s15+$0x0], $0xffff  }
0x1b0: {  	v2 =	vadd.f32 v2, v46;
	v15 =	vsub.f32 v15, v27;
	v60 =	vadd.s32 $0x10800, v10;
	v14 =	vld.idx.msk [tilespmem:v61+s15+$0x0], $0xffff;
	[tilespmem:s4+$0x20] =	vst v52  }
0x1b1: {  	v48 =	vadd.s32 $0x10801, v10;
	v16 =	vsub.f32 v16, v20;
	v7 =	vsub.f32 v7, v32;
	v23 =	vld.idx.msk [tilespmem:v62+s15+$0x0], $0xffff  }
0x1b2: {  	v15 =	vmul.f32 v15, v4;
	v9 =	vsub.f32 v9, v24;
	v55 =	vadd.s32 $0x10A00, v10;
	v29 =	vld.idx.msk [tilespmem:v63+s15+$0x0], $0xffff  }
0x1b3: {  	v16 =	vmul.f32 v16, v3;
	v7 =	vmul.f32 v7, v25;
	v57 =	vadd.s32 $0x10A01, v10;
	v62 =	vld.idx.msk [tilespmem:v53+s15+$0x0], $0xffff  }
0x1b4: {  	v37 =	vmul.f32 v9, v3;
	v58 =	vsub.f32 v34, v18;
	[tilespmem:s4+$0x0] =	vst v22;
	v12 =	vld.idx.msk [tilespmem:v56+s15+$0x0], $0xffff  }
0x1b5: {  	v15 =	vadd.f32 v15, v27;
	v16 =	vadd.f32 v16, v20;
	v61 =	vmul.f32 v11, v4;
	v54 =	vld.idx.msk [tilespmem:v60+s15+$0x0], $0xffff  }
0x1b6: {  	v3 =	vadd.f32 v37, v24;
	v59 =	vld.idx.msk [tilespmem:v48+s15+$0x0], $0xffff;
	v60 =	vsub.f32 v39, v43;
	v63 =	vmul.f32 v58, v21  }
0x1b7: {  	v7 =	vadd.f32 v7, v32;
	v30 =	vld.idx.msk [tilespmem:v55+s15+$0x0], $0xffff;
	v4 =	vadd.f32 v61, v13  }
0x1b8: {  	v3 =	vsub.f32 v3, v16;
	v39 =	vmul.f32 v60, v21;
	v40 =	vadd.f32 v63, v18;
	v38 =	vld.idx.msk [tilespmem:v57+s15+$0x0], $0xffff  }
0x1b9: {  	v4 =	vsub.f32 v4, v15;
	v46 =	vsub.f32 v45, v44  }
0x1ba: {  	v14 =	vsub.f32 v14, v51;
	v10 =	vadd.f32 v39, v43  }
0x1bb: {  	v48 =	vsub.f32 v29, v23;
	v12 =	vsub.f32 v12, v62  }
0x1bc: {  	v18 =	vmul.f32 v46, v33;
	v47 =	vsub.f32 v59, v54;
	v14 =	vmul.f32 v14, v33  }
0x1bd: {  	v10 =	vsub.f32 v10, v40;
	v50 =	vmul.f32 v48, v19;
	v9 =	vsub.f32 v38, v30  }
0x1be: {  	v49 =	vmul.f32 v12, v19;
	v21 =	vmul.f32 v47, v42;
	v18 =	vadd.f32 v18, v44  }
0x1bf: {  	[tilespmem:s0+$0x2010] =	vst v8;
	v14 =	vadd.f32 v14, v51;
	v56 =	vadd.f32 v50, v23;
	v9 =	vmul.f32 v9, v42  }
0x1c0: {  	[tilespmem:s0+$0x2020] =	vst v0;
	v55 =	vmul.f32 v3, v1;
	v57 =	vadd.f32 v49, v62;
	v51 =	vadd.f32 v21, v54  }
0x1c1: {  	s5 =	sand.u32 $0x1FC0, s5;
	[tilespmem:s13+$0x2030] =	vst v5;
	v52 =	vmul.f32 v4, v6;
	v53 =	vsub.f32 v14, v18;
	v54 =	vadd.f32 v9, v30  }
0x1c2: {  	[tilespmem:s5+$0x1C080] =	vst v2;
	v0 =	vadd.f32 v55, v16;
	v58 =	vmul.f32 v10, v17;
	v3 =	vsub.f32 v57, v56  }
0x1c3: {  	[tilespmem:s13+$0x2010] =	vst v7;
	v2 =	vadd.f32 v52, v15;
	v4 =	vmul.f32 v53, v41;
	v6 =	vsub.f32 v54, v51  }
0x1c4: {  	s14 =	sand.u32 $0x1FC0, s14;
	[tilespmem:s13+$0x2020] =	vst v0;
	v59 =	vadd.f32 v58, v40;
	v3 =	vmul.f32 v3, v28  }
0x1c5: {  	[tilespmem:s14+$0x1C080] =	vst v2;
	v61 =	vadd.f32 v4, v18;
	v60 =	vmul.f32 v6, v31  }
0x1c6: {  	s31 =	sadd.s32 $0x1, s31;
	[tilespmem:s4+$0x2030] =	vst v59;
	v63 =	vadd.f32 v3, v56  }
0x1c7: {  	s1 =	sor.u32 s7, s1;
	p0 =	sne.s32 s31, $0x18;
	[tilespmem:s4+$0x2010] =	vst v61;
	v62 =	vadd.f32 v60, v51  }
.Ltmp2:
0x1c8: {  	s16 =	sand.u32 $0x1FC0, s16;
	s28 =	sshrl.u32 s1, $0x3;
	[tilespmem:s4+$0x2020] =	vst v63;
	(pc) =	sbr.rel @p0 .LBB2_2-.Ltmp2, $4  }
0x1c9: {  	s1 =	sadd.s32 s6, s28;
	[tilespmem:s16+$0x1C080] =	vst v62  }
0x1ca: {  	[hbm4b:s1+s3] =	stream.linear.scatter [tilespmem:s21], [sflag:$0x5], $0x2000, $0x38;
	[tilespmem:$0x1E080] =	vst v63  }
0x1cb: {  	s0 =	sadd.s32 s28, s10  }
0x1cc: {  	[hbm4b:s0+s3] =	stream.linear.scatter [tilespmem:s22], [sflag:$0x6], $0x2000, $0x38;
	[tilespmem:$0x1E080] =	vst v63  }
0x1cd: {  	_ =	swait.ge [sflag:s25], $0x2000  }
0x1ce: {  	[sflag:s25] =	ssyncset.done $0x0  }
0x1cf: {  	[sflag:s25] =	ssyncadd.s32 $0xFFFFE000  }
0x1d0: {  	_ =	swait.ge [sflag:s26], $0x2000  }
0x1d1: {  	s1 =	rddreg [dreg:$0x8]  }
0x1d2: {  	s0 =	rddreg [dreg:$0x7];
	s1 =	sadd.s32 $0x1, s1  }
0x1d3: {  	p0 =	sne.s32 s1, s0  }
.Ltmp3:
0x1d4: {  	_ = 	snop;
	(pc) =	sbr.rel @p0 .LBB2_1-.Ltmp3, $3  }
0x1d5: {  	_ =	sdelay $0x1  }
0x1d6: {  	[sflag:s26] =	ssyncset.done $0x0  }
0x1d7: {  	[sflag:s26] =	ssyncadd.s32 $0xFFFFE000  }
0x1d8: {  	_ =	sfence.sel $0x180000  }
0x1d9: {  	[bflag:$0x0] =	sbarrier.arrive $0xFFFF  }
0x1da: {  	_ =	strace $0x9000004A  }
0x1db: {  	s0 =	stileid.u32;
	[bflag:$0x2] =	sbarrier.arrive $0xFFFF  }
0x1dc: {  	p0 =	sne.s32 s0, $0x0;
	s0 =	rddreg [dreg:$0x2]  }
0x1dd: {  	s0 =	sadd.s32 @!p0 $0x100000, s0  }
0x1de: {  	[sflag:s0] =	ssyncadd.tile.s32 @!p0 $0x1;
	_ =	shalt  }
.Lfunc_end2:
_tile_overlayer_lowered:
.L_overlay_start_2:
0x1df: {  	(tag) =	ssettag $0x2  }
0x1e0: {  	s0 =	rddreg [dreg:$0x0];
	s2 =	stileid.u32  }
0x1e1: {  	s1 =	rddreg [dreg:$0x1];
	p0 =	sne.s32 s2, $0x0  }
0x1e2: {  	s3 =	rddreg [dreg:$0x2];
	[bflag:$0x3] =	sbarrier.arrive $0xFFFF;
	s2 =	simm.s32 @!p0 $0x1C07  }
0x1e3: {  	[timem:s3], [sflag:s2] =	dma.local @!p0 [hbm:s0], s1  }
0x1e4: {  	s0 =	simm.s32 @!p0 $0x7  }
0x1e5: {  	_ =	swait.ge @!p0 [sflag:s0], s1  }
0x1e6: {  	s1 =	ssub.s32 @!p0 $0x0, s1;
	[sflag:s0] =	ssyncset.done @!p0 $0x0  }
0x1e7: {  	[sflag:s0] =	ssyncadd.s32 @!p0 s1  }
0x1e8: {  	[bflag:$0x3] =	sbarrier.arrive $0xFFFF  }
0x1e9: {  	_ =	shalt  }

// kernel: sparse-core-data-format-call.cloned.1.call-start
scs
called_computation_lowered:
.L_overlay_start_0:
0x0: {  	s2 =	sld [smem:$0x3FD9]  }
0x1: {  	s3 =	sld [smem:$0x3FFE];
	_ =	sdelay $0x1  }
0x2: {  	s1 =	srdreg.scid  }
0x3: {  	s0 =	sand.u32 $0x1, s1  }
0x4: {  	s19 =	sshll.u32 s0, $0xA;
	s2 =	sadd.s32 s3, s2  }
0x5: {  	s2 =	sadd.s32 s2, s19  }
0x6: {  	[smem:$0x3FC7] =	sst s2  }
0x7: {  	_ = 	snop  }
0x8: {  	s2 =	sld [smem:$0x3FC9]  }
0x9: {  	s20 =	sld [smem:$0x3FD0];
	(tm) =	ssettm $0x1  }
0xa: {  	s4 =	sld [smem:$0x3FFB];
	_ =	sdelay $0x3  }
0xb: {  	_ =	strace s4  }
0xc: {  	s4 =	sld [smem:$0x3FFC];
	_ =	sdelay $0x3  }
0xd: {  	_ =	strace s4  }
0xe: {  	s4 =	sld [smem:$0x3FFD];
	_ =	sdelay $0x3  }
0xf: {  	_ =	strace s4  }
0x10: {  	_ =	strace $0x8FFFFFFF  }
0x11: {  	s21 =	sld [smem:$0x3FDB];
	_ =	sdelay $0x1  }
0x12: {  	s5 =	simm.s32 $_scs_section_size  }
0x13: {  	s6 =	simm.s32 $_size__tile_overlayer_lowered;
	s7 =	simm.s32 $_tile_overlayer_lowered  }
0x14: {  	s24 =	simm.s32 $0x1BFF;
	s23 =	sshll.u32 s7, $0x1;
	s4 =	sadd.s32 s5, s21  }
0x15: {  	s8 =	simm.s32 $0x0;
	s22 =	sshll.u32 s6, $0x1;
	s6 =	sadd.s32 s23, s4  }
0x16: {  	[timem:s8], [sflag:s24] =	dma.local [hbm:s6], s22  }
0x17: {  	_ =	swait.ge [sflag:s24], s22  }
0x18: {  	s5 =	ssub.s32 $0x0, s22;
	[sflag:s24] =	ssyncset.done $0x0  }
0x19: {  	[sflag:s24] =	ssyncadd.s32 s5;
	_ =	sdelay $0x1  }
0x1a: {  	s25 =	simm.s32 $0x1B8B  }
0x1b: {  	_ =	swait.ge [sflag:s25], $0x1  }
0x1c: {  	[sflag:s25] =	ssyncset.done $0x0  }
0x1d: {  	s26 =	simm.s32 $0x1B8E;
	[sflag:s25] =	ssyncadd.s32 $0xFFFFFFFF  }
0x1e: {  	s27 =	simm.s32 $execute0_lowered;
	[smem:$0x3FD2] =	sst s26  }
0x1f: {  	s5 =	sshll.u32 s27, $0x1;
	_ =	strace $0x80000046;
	[dreg:$0x1] =	wrdreg $0xFFFFFFFF  }
0x20: {  	s28 =	simm.s32 $_size_execute0_lowered;
	s4 =	sadd.s32 s4, s5;
	[dreg:$0x0] =	wrdreg $0x0  }
0x21: {  	s5 =	sshll.u32 s28, $0x1;
	[dreg:$0x2] =	wrdreg s4  }
0x22: {  	[dreg:$0x3] =	wrdreg s5  }
0x23: {  	[dreg:$0x4] =	wrdreg $0xC0  }
0x24: {  	_ =	task [dreg:s8], $0x5FFFF  }
0x25: {  	[dreg:$0x1] =	wrdreg $0xFFFFFFFF  }
0x26: {  	[dreg:$0x0] =	wrdreg $0x60  }
0x27: {  	[dreg:$0x2] =	wrdreg s2  }
0x28: {  	[dreg:$0x3] =	wrdreg s20  }
0x29: {  	[dreg:$0x4] =	wrdreg $0x9  }
0x2a: {  	_ =	task.clear_ibuf [dreg:s8], $0x5FFFF;
	_ =	strace $0x90000046  }
0x2b: {  	s29 =	simm.s32 $0x9;
	_ =	strace $0x80000048  }
0x2c: {  	_ =	swait.ge [sflag:s29], $0x1  }
0x2d: {  	[sflag:s29] =	ssyncadd.s32 $0xFFFFFFFF  }
0x2e: {  	_ =	strace $0x90000048  }
0x2f: {  	_ =	sfence  }
0x30: {  	s30 =	sld [smem:$0x0];
	_ =	sdelay $0x2  }
0x31: {  	s31 =	sshll.u32 s1, $0xD;
	s1 =	sshrl.u32 s1, $0x2  }
0x32: {  	s3 =	sand.u32 $0x4000, s31;
	s1 =	sadd.s32 s1, s30  }
0x33: {  	s0 =	sor.u32 s3, s0;
	s1 =	sshll.u32 s1, $0x11  }
0x34: {  	s0 =	sor.u32 s1, s0  }
0x35: {  	s0 =	sadd.s32 $0x8F2B, s0  }
0x36: {  	[sflag:s0] =	ssyncadd.remote.s32 $0x1  }
0x37: {  	_ =	sfence.sel $0xFFFF  }
0x38: {  	[dreg:$0x0] =	wrdreg $0xFFFFFFFF;
	(pc) =	sbr.abs _section_cstart, $3  }
0x39: {  	[dreg:$0x1] =	wrdreg $0xFFFFFFFF  }
0x3a: {  	_ =	task.clear_ibuf [dreg:s8], $0x2FFFF;
	_ =	strace $0x9FFFFFFF  }
0x3b: {  	(tm) =	ssettm $0x7FFFFFFF  }
tec
execute0_lowered:
.L_overlay_start_1:
0x0: {  	(tag) =	ssettag $0x1  }
0x1: {  	s0 =	srdreg.scid  }
0x2: {  	s1 =	sshll.u32 s0, $0x4  }
0x3: {  	s2 =	rddreg [dreg:$0x0];
	s0 =	stileid.u32;
	s1 =	sand.u32 $0x10, s1  }
0x4: {  	s4 =	rddreg [dreg:$0x1];
	s1 =	sor.u32 s0, s1  }
0x5: {  	s7 =	simm.s32 $0x1;
	s8 =	simm.s32 $0x2;
	s3 =	sshll.u32 s1, $0x2  }
0x6: {  	s9 =	simm.s32 $0x0;
	s12 =	simm.s32 $0x0;
	s6 =	ssub.s32 $0x1800, s3  }
.Ltmp0:
0x7: {  	s11 =	simm.s32 $0x0;
	s5 =	sand.u32 $0x7C, s6;
	(pc) =	sbr.rel .LBB1_1-.Ltmp0, $4  }
0x8: {  	s1 =	rddreg [dreg:$0x2];
	_ =	strace $0x80000047;
	p0 =	sne.s32 s5, $0x0  }
0x9: {  	s6 =	sshrl.u32 s6, $0x7;
	s5 =	simm.s32 $0x1;
	s7 =	simm.s32 @!p0 $0x0  }
0xa: {  	s10 =	smov.u32 s3;
	[sflag:s5] =	ssyncpa.u1 $0x0;
	s6 =	sadd.s32 s7, s6  }
0xb: {  	[sflag:s8] =	ssyncpa.u1 $0x0;
	s8 =	simm.s32 $0x0;
	s7 =	sadd.s32 $0x1, s6  }
.LBB1_9:
0xc: {  	s14 =	sadd.s32 $0x80, s10  }
0xd: {  	p1 =	sgt.s32 s14, $0x17FF  }
0xe: {  	s14 =	smov.u32 @p1 s3;
	p1 =	sne.s32 s11, s7  }
.Ltmp1:
0xf: {  	p0 =	slt.u32 s11, $0x2;
	(pc) =	sbr.rel @!p1 .LBB1_10-.Ltmp1, $4  }
0x10: {  	s13 =	simm.s32 @!p0 $0x2  }
0x11: {  	s15 =	sadd.s32 $0x1, s11;
	_ =	swait.ge @!p0 [sflag:s13], $0x4000  }
0x12: {  	s12 =	smov.u32 s10;
	s9 =	sadd.s32 $0x4000, s9;
	[sflag:s13] =	ssyncset.done @!p0 $0x0  }
0x13: {  	s11 =	smov.u32 s15;
	s10 =	smov.u32 s14;
	[sflag:s13] =	ssyncadd.s32 @!p0 $0xFFFFC000  }
.LBB1_1:
0x14: {  	p0 =	sge.u32 s11, s6  }
0x15: {  	s13 =	sxor.u32 @!p0 $0xFFFFFFFF, s11  }
0x16: {  	s31 =	sadd.s32 $0xFFFFFFFF, s11;
	s14 =	sshll.u32 @!p0 s10, $0x9;
	s13 =	sshll.u32 @!p0 s13, $0xE  }
0x17: {  	s15 =	simm.s32 @!p0 $0x0;
	s14 =	sadd.s32 @!p0 s2, s14;
	s13 =	sand.u32 @!p0 $0x4000, s13  }
0x18: {  	[tilespmem:s13], [sflag:$0x1] =	stream.linear.gather @!p0 [hbm4b:s14+s15], $0x4000, $0x38;
	[tilespmem:$0x10000] =	vst v63  }
0x19: {  	p0 =	sge.u32 s31, s6  }
.Ltmp2:
0x1a: {  	_ = 	snop;
	(pc) =	sbr.rel @p0 .LBB1_9-.Ltmp2, $1  }
0x1b: {  	_ =	sdelay $0x3  }
0x1c: {  	s14 =	sand.u32 $0x4000, s9  }
0x1d: {  	_ =	swait.ge [sflag:s5], $0x4000;
	s15 =	sshll.u32 s11, $0xE;
	s16 =	simm.s32 $0x0  }
0x1e: {  	s13 =	sor.u32 $0x40, s14;
	[sflag:s5] =	ssyncset.done $0x0;
	s15 =	sand.u32 $0x4000, s15  }
0x1f: {  	s14 =	sor.u32 $0x8040, s14;
	[sflag:s5] =	ssyncadd.s32 $0xFFFFC000;
	s15 =	sor.u32 $0x8000, s15  }
.LBB1_3:
0x20: {  	s17 =	smov.u32 s14;
	s18 =	smov.u32 s13;
	s19 =	simm.s32 $0x0  }
.LBB1_4:
0x21: {  	v0 =	vmov s17;
	v2 =	vld [tilespmem:s18+$0x30]  }
0x22: {  	v4 =	vld [tilespmem:s18+$0xFFFFFFD0]  }
0x23: {  	v6 =	vld [tilespmem:s18+$0xFFFFFFE0]  }
0x24: {  	v7 =	vld [tilespmem:s18+$0xFFFFFFF0]  }
0x25: {  	s20 =	simm.s32 $0x0;
	v1 =	vld [tilespmem:s18+$0x0]  }
0x26: {  	v3 =	vld [tilespmem:s18+$0x10];
	[tilespmem:v0+s20+$0x30 ss:$0x1] =	vst.idx.msk $0xffff, v2  }
0x27: {  	v5 =	vld [tilespmem:s18+$0x20];
	[tilespmem:v0+s20+$0xFFFFFFD0 ss:$0x1] =	vst.idx.msk $0xffff, v4  }
0x28: {  	s21 =	sadd.s32 $0x80, s18;
	v2 =	vld [tilespmem:s18+$0xFFFFFFC0];
	[tilespmem:v0+s20+$0xFFFFFFE0 ss:$0x1] =	vst.idx.msk $0xffff, v6  }
0x29: {  	s22 =	simm.s32 $0x800;
	s23 =	simm.s32 $0x1000;
	v4 =	vld [tilespmem:s21+$0x30];
	[tilespmem:v0+s20+$0xFFFFFFF0 ss:$0x1] =	vst.idx.msk $0xffff, v7  }
.LBB1_5:
0x2a: {  	p0 =	sne.s32 s23, $0x3800;
	v6 =	vld [tilespmem:s21+$0xFFFFFFD0];
	[tilespmem:v0+s20+$0x0 ss:$0x1] =	vst.idx.msk $0xffff, v1  }
0x2b: {  	v7 =	vld [tilespmem:s21+$0xFFFFFFE0];
	[tilespmem:v0+s20+$0x10 ss:$0x1] =	vst.idx.msk $0xffff, v3  }
0x2c: {  	v8 =	vld [tilespmem:s21+$0xFFFFFFF0];
	[tilespmem:v0+s20+$0x20 ss:$0x1] =	vst.idx.msk $0xffff, v5  }
.Ltmp3:
0x2d: {  	v1 =	vld [tilespmem:s21+$0x0];
	[tilespmem:v0+s20+$0xFFFFFFC0 ss:$0x1] =	vst.idx.msk $0xffff, v2;
	s20 =	sshra.s32 s22, $0x2;
	s22 =	smov.u32 s23;
	(pc) =	sbr.rel @p0 .LBB1_5-.Ltmp3, $4  }
0x2e: {  	v3 =	vld [tilespmem:s21+$0x10];
	[tilespmem:v0+s20+$0x30 ss:$0x1] =	vst.idx.msk $0xffff, v4  }
0x2f: {  	[tilespmem:v0+s20+$0xFFFFFFD0 ss:$0x1] =	vst.idx.msk $0xffff, v6;
	v5 =	vld [tilespmem:s21+$0x20]  }
0x30: {  	v2 =	vld [tilespmem:s21+$0xFFFFFFC0];
	[tilespmem:v0+s20+$0xFFFFFFE0 ss:$0x1] =	vst.idx.msk $0xffff, v7;
	s21 =	sadd.s32 $0x80, s21  }
0x31: {  	s23 =	sadd.s32 $0x800, s23;
	v4 =	vld [tilespmem:s21+$0x30];
	[tilespmem:v0+s20+$0xFFFFFFF0 ss:$0x1] =	vst.idx.msk $0xffff, v8  }
0x32: {  	_ =	sdelay $0x3  }
0x33: {  	v6 =	vld [tilespmem:s21+$0xFFFFFFD0];
	[tilespmem:v0+s20+$0x0 ss:$0x1] =	vst.idx.msk $0xffff, v1  }
0x34: {  	v58 =	vld [tilespmem:s21+$0xFFFFFFE0];
	[tilespmem:v0+s20+$0x10 ss:$0x1] =	vst.idx.msk $0xffff, v3  }
0x35: {  	v59 =	vld [tilespmem:s21+$0xFFFFFFF0];
	[tilespmem:v0+s20+$0x20 ss:$0x1] =	vst.idx.msk $0xffff, v5  }
0x36: {  	s22 =	sshra.s32 s22, $0x2;
	v60 =	vld [tilespmem:s21+$0x0];
	[tilespmem:v0+s20+$0xFFFFFFC0 ss:$0x1] =	vst.idx.msk $0xffff, v2  }
0x37: {  	v61 =	vld [tilespmem:s21+$0x10];
	[tilespmem:v0+s22+$0x30 ss:$0x1] =	vst.idx.msk $0xffff, v4  }
0x38: {  	v62 =	vld [tilespmem:s21+$0x20];
	s19 =	sadd.s32 $0x1, s19;
	[tilespmem:v0+s22+$0xFFFFFFD0 ss:$0x1] =	vst.idx.msk $0xffff, v6  }
0x39: {  	v63 =	vld [tilespmem:s21+$0xFFFFFFC0];
	p0 =	sne.s32 s19, $0x4;
	[tilespmem:v0+s22+$0xFFFFFFE0 ss:$0x1] =	vst.idx.msk $0xffff, v58  }
.Ltmp4:
0x3a: {  	[tilespmem:v0+s22+$0xFFFFFFF0 ss:$0x1] =	vst.idx.msk $0xffff, v59;
	(pc) =	sbr.rel @p0 .LBB1_4-.Ltmp4, $4  }
0x3b: {  	[tilespmem:v0+s22+$0x0 ss:$0x1] =	vst.idx.msk $0xffff, v60  }
0x3c: {  	[tilespmem:v0+s22+$0x10 ss:$0x1] =	vst.idx.msk $0xffff, v61  }
0x3d: {  	[tilespmem:v0+s22+$0x20 ss:$0x1] =	vst.idx.msk $0xffff, v62  }
0x3e: {  	s18 =	sadd.s32 $0x400, s18;
	s17 =	sadd.s32 $0x80, s17;
	[tilespmem:v0+s22+$0xFFFFFFC0 ss:$0x1] =	vst.idx.msk $0xffff, v63  }
0x3f: {  	s16 =	sadd.s32 $0x1, s16  }
0x40: {  	p0 =	sne.s32 s16, $0x4  }
.Ltmp5:
0x41: {  	_ = 	snop;
	(pc) =	sbr.rel @p0 .LBB1_3-.Ltmp5, $2  }
0x42: {  	_ =	sdelay $0x2  }
0x43: {  	s13 =	sadd.s32 $0x1000, s13;
	s14 =	sadd.s32 $0x1000, s14  }
.Ltmp6:
0x44: {  	(pc) =	sbr.rel .LBB1_9-.Ltmp6, $4  }
0x45: {  	_ = 	snop  }
0x46: {  	s12 =	sshll.u32 s12, $0x9  }
0x47: {  	s12 =	sadd.s32 s4, s12  }
0x48: {  	[hbm4b:s12+s8] =	stream.linear.scatter [tilespmem:s15], [sflag:$0x2], $0x4000, $0x38;
	[tilespmem:$0x10000] =	vst v63  }
.LBB1_10:
0x49: {  	_ =	sfence.sel $0x180000  }
0x4a: {  	s2 =	simm.s32 $0x1;
	[bflag:$0x0] =	sbarrier.arrive $0xFFFF  }
0x4b: {  	s31 =	simm.s32 $0x2;
	[sflag:s2] =	ssyncpa.u1 $0x1  }
0x4c: {  	[sflag:s31] =	ssyncpa.u1 $0x1  }
0x4d: {  	p0 =	sne.s32 s0, $0x0;
	_ =	strace $0x90000047  }
0x4e: {  	s0 =	sadd.s32 @!p0 $0x100000, s1;
	[bflag:$0x2] =	sbarrier.arrive $0xFFFF  }
0x4f: {  	[sflag:s0] =	ssyncadd.tile.s32 @!p0 $0x1;
	_ =	shalt  }
.Lfunc_end1:
_tile_overlayer_lowered:
.L_overlay_start_2:
0x50: {  	(tag) =	ssettag $0x2  }
0x51: {  	s0 =	rddreg [dreg:$0x0];
	s2 =	stileid.u32  }
0x52: {  	s1 =	rddreg [dreg:$0x1];
	p0 =	sne.s32 s2, $0x0  }
0x53: {  	s3 =	rddreg [dreg:$0x2];
	[bflag:$0x3] =	sbarrier.arrive $0xFFFF;
	s2 =	simm.s32 @!p0 $0x1C01  }
0x54: {  	[timem:s3], [sflag:s2] =	dma.local @!p0 [hbm:s0], s1  }
0x55: {  	s0 =	simm.s32 @!p0 $0x1  }
0x56: {  	_ =	swait.ge @!p0 [sflag:s0], s1  }
0x57: {  	s1 =	ssub.s32 @!p0 $0x0, s1;
	[sflag:s0] =	ssyncset.done @!p0 $0x0  }
0x58: {  	[sflag:s0] =	ssyncadd.s32 @!p0 s1  }
0x59: {  	[bflag:$0x3] =	sbarrier.arrive $0xFFFF  }
0x5a: {  	_ =	shalt  }

</sc_bundles>
